<compile_context>
chip_gen: v7x
topology: tpu7x:2x2x1
jax: 0.10.2.dev20260603
libtpu: 0.0.44.dev20260713+nightly
codegen_flags: <defaults>
</compile_context>

<pallas_src>
import jax
import jax.numpy as jnp
from jax import lax
from jax.experimental import pallas as pl
from jax.experimental.pallas import tpu as pltpu
from jax.experimental.pallas import tpu_sc as plsc

NUM_E = 1000000
NUM_R = 1000
ED = 64
RD = 32
B = 16384
PF = ED * RD
PW = 2176

NC = 2
NS = 16
NW = NC * NS
BPW = B // NW
ECH = 128
PCH = 32

TRB = 512
TRG = 977
SPLIT = TRG * TRB


def _tc_tr_body(srcl_ref, srcr_ref, o_ref):
    o_ref[:, :ED] = srcl_ref[...].T
    o_ref[:, ED:] = srcr_ref[...].T


def _tc_transpose(ent_t):
    return pl.pallas_call(
        _tc_tr_body,
        grid=(TRG,),
        in_specs=[pl.BlockSpec((ED, TRB), lambda i: (0, i)),
                  pl.BlockSpec((ED, TRB), lambda i: (0, i + TRG))],
        out_specs=pl.BlockSpec((TRB, 128), lambda i: (i, 0)),
        out_shape=jax.ShapeDtypeStruct((SPLIT, 128), jnp.float32),
    )(ent_t, ent_t)


def _sc_ent_body(heads_hbm, tails_hbm, ent_hbm, h_hbm, t_hbm,
                 idx_h, idx_t, gbuf, cbuf, sem):
    wid = lax.axis_index("s") * NC + lax.axis_index("c")
    base = wid * BPW
    pltpu.sync_copy(heads_hbm.at[pl.ds(base, BPW)], idx_h)
    pltpu.sync_copy(tails_hbm.at[pl.ds(base, BPW)], idx_t)

    @pl.loop(0, BPW, step=ECH)
    def _h(c):
        pltpu.async_copy(ent_hbm.at[idx_h.at[pl.ds(c, ECH)]], gbuf, sem).wait()
        pltpu.sync_copy(gbuf, h_hbm.at[pl.ds(base + c, ECH)])
        pltpu.async_copy(ent_hbm.at[idx_t.at[pl.ds(c, ECH)]], cbuf, sem).wait()
        pltpu.sync_copy(cbuf, t_hbm.at[pl.ds(base + c, ECH)])


def _sc_ent_gather(hrow, trow, ent2):
    f32 = jnp.float32
    return pl.kernel(
        _sc_ent_body,
        out_type=(jax.ShapeDtypeStruct((B, 128), f32),
                  jax.ShapeDtypeStruct((B, 128), f32)),
        mesh=plsc.VectorSubcoreMesh(core_axis_name="c", subcore_axis_name="s"),
        scratch_types=[
            pltpu.VMEM((BPW,), jnp.int32),
            pltpu.VMEM((BPW,), jnp.int32),
            pltpu.VMEM((ECH, 128), f32),
            pltpu.VMEM((ECH, 128), f32),
            pltpu.SemaphoreType.DMA,
        ],
    )(hrow, trow, ent2)


def _sc_proj_body(rels_hbm, proj_hbm, pg_hbm, idx_r, pbuf, sem):
    wid = lax.axis_index("s") * NC + lax.axis_index("c")
    base = wid * BPW
    pltpu.sync_copy(rels_hbm.at[pl.ds(base, BPW)], idx_r)

    @pl.loop(0, BPW, step=PCH)
    def _p(c):
        pltpu.async_copy(proj_hbm.at[idx_r.at[pl.ds(c, PCH)]], pbuf, sem).wait()
        pltpu.sync_copy(pbuf, pg_hbm.at[pl.ds(base + c, PCH)])


def _sc_proj_gather(relations, projaug):
    f32 = jnp.float32
    return pl.kernel(
        _sc_proj_body,
        out_type=jax.ShapeDtypeStruct((B, PW), f32),
        mesh=plsc.VectorSubcoreMesh(core_axis_name="c", subcore_axis_name="s"),
        scratch_types=[
            pltpu.VMEM((BPW,), jnp.int32),
            pltpu.VMEM((PCH, PW), f32),
            pltpu.SemaphoreType.DMA,
        ],
    )(relations, projaug)


TT = 256


def _tc_score_body(h_ref, t_ref, hs_ref, ts_ref, pg_ref, rsel_ref, o_ref):
    hrow = h_ref[...]
    trow = t_ref[...]
    hs = hs_ref[...]
    ts = ts_ref[...]
    h = hrow[:, :ED] + (hrow[:, ED:] - hrow[:, :ED]) * hs
    t = trow[:, :ED] + (trow[:, ED:] - trow[:, :ED]) * ts
    u = h - t
    ue = jax.lax.dot(u, rsel_ref[...],
                     preferred_element_type=jnp.float32)
    prod = ue * pg_ref[:, :PF]
    s = prod[:, 0:128]
    for c in range(1, PF // 128):
        s = s + prod[:, 128 * c:128 * (c + 1)]
    s4 = s[:, 0:32] + s[:, 32:64] + s[:, 64:96] + s[:, 96:128]
    diff = s4 + pg_ref[:, PF:PF + RD]
    o_ref[...] = jnp.sqrt(jnp.sum(diff * diff, axis=1))


def _tc_score(hg, tg, hs, ts, pg, rsel):
    return pl.pallas_call(
        _tc_score_body,
        grid=(B // TT,),
        in_specs=[
            pl.BlockSpec((TT, 128), lambda i: (i, 0)),
            pl.BlockSpec((TT, 128), lambda i: (i, 0)),
            pl.BlockSpec((TT, 1), lambda i: (i, 0)),
            pl.BlockSpec((TT, 1), lambda i: (i, 0)),
            pl.BlockSpec((TT, PW), lambda i: (i, 0)),
            pl.BlockSpec((ED, PF), lambda i: (0, 0)),
        ],
        out_specs=pl.BlockSpec((TT,), lambda i: (i,)),
        out_shape=jax.ShapeDtypeStruct((B,), jnp.float32),
    )(hg, tg, hs, ts, pg, rsel)


def kernel(heads, relations, tails, entity_embeddings, relation_embeddings,
           projection_matrices):
    projaug = jnp.concatenate(
        [projection_matrices.reshape(NUM_R, PF), relation_embeddings,
         jnp.zeros((NUM_R, PW - PF - RD), jnp.float32)], axis=1)
    k = jnp.arange(PF, dtype=jnp.int32)[None, :]
    d = jnp.arange(ED, dtype=jnp.int32)[:, None]
    rsel = (k // RD == d).astype(jnp.float32)
    ent2 = _tc_transpose(entity_embeddings.T)
    hrow = jnp.where(heads < SPLIT, heads, heads - SPLIT)
    trow = jnp.where(tails < SPLIT, tails, tails - SPLIT)
    hs = (heads >= SPLIT).astype(jnp.float32).reshape(B, 1)
    ts = (tails >= SPLIT).astype(jnp.float32).reshape(B, 1)
    pg = _sc_proj_gather(relations, projaug)
    hrow, trow, pg = lax.optimization_barrier((hrow, trow, pg))
    hg, tg = _sc_ent_gather(hrow, trow, ent2)
    return _tc_score(hg, tg, hs, ts, pg, rsel)

# --- scband reference (transcript-rebuilt; emitter-appended) ---
"""Pipeline reference for scband-trans-r-22385369547467 (READ-ONLY COPY).

The authoritative reference and input builder live on the scoring server;
editing this copy changes nothing except your own understanding.
"""

import jax, jax.numpy as jnp
import numpy as np

NUM_ENTITIES = 1000000
NUM_RELATIONS = 1000
ENTITY_DIM = 64
RELATION_DIM = 32
BATCH = 16384


def setup_inputs(seed: int = 0) -> dict:
    key = jax.random.key(seed)
    k1, k2, k3, k4, k5, k6 = jax.random.split(key, 6)
    heads = jax.random.randint(k1, (BATCH,), 0, NUM_ENTITIES)
    relations = jax.random.randint(k2, (BATCH,), 0, NUM_RELATIONS)
    tails = jax.random.randint(k3, (BATCH,), 0, NUM_ENTITIES)
    # learned parameters (xavier-like small init)
    entity_embeddings = jax.random.normal(k4, (NUM_ENTITIES, ENTITY_DIM), dtype=jnp.float32) * 0.05
    relation_embeddings = jax.random.normal(k5, (NUM_RELATIONS, RELATION_DIM), dtype=jnp.float32) * 0.05
    projection_matrices = jax.random.normal(k6, (NUM_RELATIONS, ENTITY_DIM, RELATION_DIM), dtype=jnp.float32) * 0.05
    return {
        "heads": heads,
        "relations": relations,
        "tails": tails,
        "entity_embeddings": entity_embeddings,
        "relation_embeddings": relation_embeddings,
        "projection_matrices": projection_matrices,
    }


def reference(heads, relations, tails, entity_embeddings, relation_embeddings, projection_matrices):
    # embedding lookups (gather)
    h_embed = jnp.take(entity_embeddings, heads, axis=0)          # [B, entity_dim]
    r_embed = jnp.take(relation_embeddings, relations, axis=0)    # [B, relation_dim]
    t_embed = jnp.take(entity_embeddings, tails, axis=0)          # [B, entity_dim]
    # gather relation-specific projection matrices
    proj = jnp.take(projection_matrices, relations, axis=0)       # [B, entity_dim, relation_dim]
    # bmm: [B,1,entity_dim] @ [B,entity_dim,relation_dim] -> [B,relation_dim]
    h_proj = jnp.einsum('bd,bdr->br', h_embed, proj)
    t_proj = jnp.einsum('bd,bdr->br', t_embed, proj)
    diff = h_proj + r_embed - t_proj
    # l2 norm over dim 1 (norm='l2' -> p=2)
    score = jnp.sqrt(jnp.sum(diff * diff, axis=1))
    return score

if __name__ == "__main__":
    import jax
    _d = setup_inputs()
    print(jax.jit(kernel)(*tuple(_d.values())))

</pallas_src>

<mosaic_0001>
#map = affine_map<(d0, d1) -> (0)>
#map1 = affine_map<(d0, d1) -> (0, 0)>
module attributes {stable_mosaic.version = 14 : i64} {
  func.func @_sc_proj_body(%arg0: i32, %arg1: i32, %arg2: memref<16384xi32, #tpu.memory_space<hbm>>, %arg3: memref<1000x2176xf32, #tpu.memory_space<hbm>>, %arg4: memref<16384x2176xf32, #tpu.memory_space<hbm>>, %arg5: memref<512xi32, #tpu.memory_space<vmem>>, %arg6: memref<32x2176xf32, #tpu.memory_space<vmem>>, %arg7: memref<!tpu.dma_semaphore, #tpu.memory_space<semaphore_mem>>) attributes {dimension_semantics = [#tpu.dimension_semantics<core_parallel>, #tpu.dimension_semantics<subcore_parallel>], iteration_bounds = array<i64: 2, 16>, scalar_prefetch = 0 : i64, scratch_operands = 3 : i64, tpu.core_type = #tpu.core_type<sc_vector_subcore>, window_params = [{transform_indices = #map}, {transform_indices = #map1}, {transform_indices = #map1}]} {
    %mul3A = arith.constant 2 : i32
    %mul3A_0 = arith.muli %arg1, %mul3A : i32
    %add3A = arith.addi %mul3A_0, %arg0 : i32
    %mul3A_1 = arith.constant 512 : i32
    %mul3A_2 = arith.muli %add3A, %mul3A_1 : i32
    "tpu.region"() ({
      %run_scoped3A = tpu.sem_alloc : memref<!tpu.dma_semaphore, #tpu.memory_space<semaphore_mem>>
      %dma_start3A = tpu.memref_slice %arg2[%mul3A_2] : memref<16384xi32, #tpu.memory_space<hbm>> -> memref<512xi32, #tpu.memory_space<hbm>>
      %dma_start3A_7 = tpu.memref_slice %arg2[%mul3A_2] : memref<16384xi32, #tpu.memory_space<hbm>> -> memref<512xi32, #tpu.memory_space<hbm>>
      tpu.enqueue_dma source(%dma_start3A_7 : memref<512xi32, #tpu.memory_space<hbm>>) target(%arg5 : memref<512xi32, #tpu.memory_space<vmem>>) target_semaphore(%run_scoped3A : memref<!tpu.dma_semaphore, #tpu.memory_space<semaphore_mem>>)
      %dma_wait3A = tpu.memref_slice %arg2[%mul3A_2] : memref<16384xi32, #tpu.memory_space<hbm>> -> memref<512xi32, #tpu.memory_space<hbm>>
      %dma_wait3A_8 = tpu.memref_slice %arg2[%mul3A_2] : memref<16384xi32, #tpu.memory_space<hbm>> -> memref<512xi32, #tpu.memory_space<hbm>>
      tpu.wait_dma2 semaphore(%run_scoped3A : memref<!tpu.dma_semaphore, #tpu.memory_space<semaphore_mem>>) src(%dma_wait3A_8 : memref<512xi32, #tpu.memory_space<hbm>>) dst(%arg5 : memref<512xi32, #tpu.memory_space<vmem>>)
      tpu.yield
    }) : () -> ()
    %scan3A = arith.constant 0 : i32
    %scan3A_3 = arith.constant 16 : i32
    %scan3A_4 = arith.addi %scan3A, %scan3A_3 : i32
    %scan3A_5 = arith.constant 1 : i32
    scf.for %scan3A_7 = %scan3A to %scan3A_4 step %scan3A_5  : i32 {
      %mul3A_8 = arith.constant 32 : i32
      %mul3A_9 = arith.muli %scan3A_7, %mul3A_8 : i32
      %add3A_10 = arith.constant 0 : i32
      %add3A_11 = arith.addi %add3A_10, %mul3A_9 : i32
      %dma_start3A = tpu.memref_slice %arg5[%add3A_11] : memref<512xi32, #tpu.memory_space<vmem>> -> memref<32xi32, #tpu.memory_space<vmem>>
      %dma_start3A_12 = arith.constant 0 : i32
      %dma_start3A_13 = arith.constant 0 : i32
      %dma_start3A_14 = tpu.memref_slice %arg3[%dma_start3A_12, %dma_start3A_13] : memref<1000x2176xf32, #tpu.memory_space<hbm>> -> memref<1000x2176xf32, #tpu.memory_space<hbm>>
      tpu.enqueue_indirect_dma source(%dma_start3A_14 : memref<1000x2176xf32, #tpu.memory_space<hbm>>) target(%arg6 : memref<32x2176xf32, #tpu.memory_space<vmem>>) offsets(%dma_start3A : memref<32xi32, #tpu.memory_space<vmem>>) semaphore(%arg7 : memref<!tpu.dma_semaphore, #tpu.memory_space<semaphore_mem>>)
      %dma_wait3A = tpu.memref_slice %arg5[%add3A_11] : memref<512xi32, #tpu.memory_space<vmem>> -> memref<32xi32, #tpu.memory_space<vmem>>
      %dma_wait3A_15 = arith.constant 0 : i32
      %dma_wait3A_16 = arith.constant 0 : i32
      %dma_wait3A_17 = tpu.memref_slice %arg3[%dma_wait3A_15, %dma_wait3A_16] : memref<1000x2176xf32, #tpu.memory_space<hbm>> -> memref<1000x2176xf32, #tpu.memory_space<hbm>>
      tpu.wait_indirect_dma semaphore(%arg7 : memref<!tpu.dma_semaphore, #tpu.memory_space<semaphore_mem>>) src(%dma_wait3A_17 : memref<1000x2176xf32, #tpu.memory_space<hbm>>) dst(%arg6 : memref<32x2176xf32, #tpu.memory_space<vmem>>)
      %add3A_18 = arith.addi %mul3A_2, %add3A_11 : i32
      "tpu.region"() ({
        %run_scoped3A = tpu.sem_alloc : memref<!tpu.dma_semaphore, #tpu.memory_space<semaphore_mem>>
        %dma_start3A_19 = arith.constant 0 : i32
        %dma_start3A_20 = tpu.memref_slice %arg4[%add3A_18, %dma_start3A_19] : memref<16384x2176xf32, #tpu.memory_space<hbm>> -> memref<32x2176xf32, #tpu.memory_space<hbm>>
        %dma_start3A_21 = arith.constant 0 : i32
        %dma_start3A_22 = tpu.memref_slice %arg4[%add3A_18, %dma_start3A_21] : memref<16384x2176xf32, #tpu.memory_space<hbm>> -> memref<32x2176xf32, #tpu.memory_space<hbm>>
        tpu.enqueue_dma source(%arg6 : memref<32x2176xf32, #tpu.memory_space<vmem>>) target(%dma_start3A_22 : memref<32x2176xf32, #tpu.memory_space<hbm>>) target_semaphore(%run_scoped3A : memref<!tpu.dma_semaphore, #tpu.memory_space<semaphore_mem>>)
        %dma_wait3A_23 = arith.constant 0 : i32
        %dma_wait3A_24 = tpu.memref_slice %arg4[%add3A_18, %dma_wait3A_23] : memref<16384x2176xf32, #tpu.memory_space<hbm>> -> memref<32x2176xf32, #tpu.memory_space<hbm>>
        %dma_wait3A_25 = arith.constant 0 : i32
        %dma_wait3A_26 = tpu.memref_slice %arg4[%add3A_18, %dma_wait3A_25] : memref<16384x2176xf32, #tpu.memory_space<hbm>> -> memref<32x2176xf32, #tpu.memory_space<hbm>>
        tpu.wait_dma2 semaphore(%run_scoped3A : memref<!tpu.dma_semaphore, #tpu.memory_space<semaphore_mem>>) src(%arg6 : memref<32x2176xf32, #tpu.memory_space<vmem>>) dst(%dma_wait3A_26 : memref<32x2176xf32, #tpu.memory_space<hbm>>)
        tpu.yield
      }) : () -> ()
    }
    %scan3A_6 = arith.constant 16 : i32
    return
  }
}

#map = affine_map<(d0, d1) -> (0)>
#map1 = affine_map<(d0, d1) -> (0, 0)>
module attributes {stable_mosaic.version = 14 : i64} {
  func.func @_sc_ent_body(%arg0: i32, %arg1: i32, %arg2: memref<16384xi32, #tpu.memory_space<hbm>>, %arg3: memref<16384xi32, #tpu.memory_space<hbm>>, %arg4: memref<500224x128xf32, #tpu.memory_space<hbm>>, %arg5: memref<16384x128xf32, #tpu.memory_space<hbm>>, %arg6: memref<16384x128xf32, #tpu.memory_space<hbm>>, %arg7: memref<512xi32, #tpu.memory_space<vmem>>, %arg8: memref<512xi32, #tpu.memory_space<vmem>>, %arg9: memref<128x128xf32, #tpu.memory_space<vmem>>, %arg10: memref<128x128xf32, #tpu.memory_space<vmem>>, %arg11: memref<!tpu.dma_semaphore, #tpu.memory_space<semaphore_mem>>) attributes {dimension_semantics = [#tpu.dimension_semantics<core_parallel>, #tpu.dimension_semantics<subcore_parallel>], iteration_bounds = array<i64: 2, 16>, scalar_prefetch = 0 : i64, scratch_operands = 5 : i64, tpu.core_type = #tpu.core_type<sc_vector_subcore>, window_params = [{transform_indices = #map}, {transform_indices = #map}, {transform_indices = #map1}, {transform_indices = #map1}, {transform_indices = #map1}]} {
    %mul3A = arith.constant 2 : i32
    %mul3A_0 = arith.muli %arg1, %mul3A : i32
    %add3A = arith.addi %mul3A_0, %arg0 : i32
    %mul3A_1 = arith.constant 512 : i32
    %mul3A_2 = arith.muli %add3A, %mul3A_1 : i32
    "tpu.region"() ({
      %run_scoped3A = tpu.sem_alloc : memref<!tpu.dma_semaphore, #tpu.memory_space<semaphore_mem>>
      %dma_start3A = tpu.memref_slice %arg2[%mul3A_2] : memref<16384xi32, #tpu.memory_space<hbm>> -> memref<512xi32, #tpu.memory_space<hbm>>
      %dma_start3A_7 = tpu.memref_slice %arg2[%mul3A_2] : memref<16384xi32, #tpu.memory_space<hbm>> -> memref<512xi32, #tpu.memory_space<hbm>>
      tpu.enqueue_dma source(%dma_start3A_7 : memref<512xi32, #tpu.memory_space<hbm>>) target(%arg7 : memref<512xi32, #tpu.memory_space<vmem>>) target_semaphore(%run_scoped3A : memref<!tpu.dma_semaphore, #tpu.memory_space<semaphore_mem>>)
      %dma_wait3A = tpu.memref_slice %arg2[%mul3A_2] : memref<16384xi32, #tpu.memory_space<hbm>> -> memref<512xi32, #tpu.memory_space<hbm>>
      %dma_wait3A_8 = tpu.memref_slice %arg2[%mul3A_2] : memref<16384xi32, #tpu.memory_space<hbm>> -> memref<512xi32, #tpu.memory_space<hbm>>
      tpu.wait_dma2 semaphore(%run_scoped3A : memref<!tpu.dma_semaphore, #tpu.memory_space<semaphore_mem>>) src(%dma_wait3A_8 : memref<512xi32, #tpu.memory_space<hbm>>) dst(%arg7 : memref<512xi32, #tpu.memory_space<vmem>>)
      tpu.yield
    }) : () -> ()
    "tpu.region"() ({
      %run_scoped3A = tpu.sem_alloc : memref<!tpu.dma_semaphore, #tpu.memory_space<semaphore_mem>>
      %dma_start3A = tpu.memref_slice %arg3[%mul3A_2] : memref<16384xi32, #tpu.memory_space<hbm>> -> memref<512xi32, #tpu.memory_space<hbm>>
      %dma_start3A_7 = tpu.memref_slice %arg3[%mul3A_2] : memref<16384xi32, #tpu.memory_space<hbm>> -> memref<512xi32, #tpu.memory_space<hbm>>
      tpu.enqueue_dma source(%dma_start3A_7 : memref<512xi32, #tpu.memory_space<hbm>>) target(%arg8 : memref<512xi32, #tpu.memory_space<vmem>>) target_semaphore(%run_scoped3A : memref<!tpu.dma_semaphore, #tpu.memory_space<semaphore_mem>>)
      %dma_wait3A = tpu.memref_slice %arg3[%mul3A_2] : memref<16384xi32, #tpu.memory_space<hbm>> -> memref<512xi32, #tpu.memory_space<hbm>>
      %dma_wait3A_8 = tpu.memref_slice %arg3[%mul3A_2] : memref<16384xi32, #tpu.memory_space<hbm>> -> memref<512xi32, #tpu.memory_space<hbm>>
      tpu.wait_dma2 semaphore(%run_scoped3A : memref<!tpu.dma_semaphore, #tpu.memory_space<semaphore_mem>>) src(%dma_wait3A_8 : memref<512xi32, #tpu.memory_space<hbm>>) dst(%arg8 : memref<512xi32, #tpu.memory_space<vmem>>)
      tpu.yield
    }) : () -> ()
    %scan3A = arith.constant 0 : i32
    %scan3A_3 = arith.constant 4 : i32
    %scan3A_4 = arith.addi %scan3A, %scan3A_3 : i32
    %scan3A_5 = arith.constant 1 : i32
    scf.for %scan3A_7 = %scan3A to %scan3A_4 step %scan3A_5  : i32 {
      %mul3A_8 = arith.constant 128 : i32
      %mul3A_9 = arith.muli %scan3A_7, %mul3A_8 : i32
      %add3A_10 = arith.constant 0 : i32
      %add3A_11 = arith.addi %add3A_10, %mul3A_9 : i32
      %dma_start3A = tpu.memref_slice %arg7[%add3A_11] : memref<512xi32, #tpu.memory_space<vmem>> -> memref<128xi32, #tpu.memory_space<vmem>>
      %dma_start3A_12 = arith.constant 0 : i32
      %dma_start3A_13 = arith.constant 0 : i32
      %dma_start3A_14 = tpu.memref_slice %arg4[%dma_start3A_12, %dma_start3A_13] : memref<500224x128xf32, #tpu.memory_space<hbm>> -> memref<500224x128xf32, #tpu.memory_space<hbm>>
      tpu.enqueue_indirect_dma source(%dma_start3A_14 : memref<500224x128xf32, #tpu.memory_space<hbm>>) target(%arg9 : memref<128x128xf32, #tpu.memory_space<vmem>>) offsets(%dma_start3A : memref<128xi32, #tpu.memory_space<vmem>>) semaphore(%arg11 : memref<!tpu.dma_semaphore, #tpu.memory_space<semaphore_mem>>)
      %dma_wait3A = tpu.memref_slice %arg7[%add3A_11] : memref<512xi32, #tpu.memory_space<vmem>> -> memref<128xi32, #tpu.memory_space<vmem>>
      %dma_wait3A_15 = arith.constant 0 : i32
      %dma_wait3A_16 = arith.constant 0 : i32
      %dma_wait3A_17 = tpu.memref_slice %arg4[%dma_wait3A_15, %dma_wait3A_16] : memref<500224x128xf32, #tpu.memory_space<hbm>> -> memref<500224x128xf32, #tpu.memory_space<hbm>>
      tpu.wait_indirect_dma semaphore(%arg11 : memref<!tpu.dma_semaphore, #tpu.memory_space<semaphore_mem>>) src(%dma_wait3A_17 : memref<500224x128xf32, #tpu.memory_space<hbm>>) dst(%arg9 : memref<128x128xf32, #tpu.memory_space<vmem>>)
      %add3A_18 = arith.addi %mul3A_2, %add3A_11 : i32
      "tpu.region"() ({
        %run_scoped3A = tpu.sem_alloc : memref<!tpu.dma_semaphore, #tpu.memory_space<semaphore_mem>>
        %dma_start3A_28 = arith.constant 0 : i32
        %dma_start3A_29 = tpu.memref_slice %arg5[%add3A_18, %dma_start3A_28] : memref<16384x128xf32, #tpu.memory_space<hbm>> -> memref<128x128xf32, #tpu.memory_space<hbm>>
        %dma_start3A_30 = arith.constant 0 : i32
        %dma_start3A_31 = tpu.memref_slice %arg5[%add3A_18, %dma_start3A_30] : memref<16384x128xf32, #tpu.memory_space<hbm>> -> memref<128x128xf32, #tpu.memory_space<hbm>>
        tpu.enqueue_dma source(%arg9 : memref<128x128xf32, #tpu.memory_space<vmem>>) target(%dma_start3A_31 : memref<128x128xf32, #tpu.memory_space<hbm>>) target_semaphore(%run_scoped3A : memref<!tpu.dma_semaphore, #tpu.memory_space<semaphore_mem>>)
        %dma_wait3A_32 = arith.constant 0 : i32
        %dma_wait3A_33 = tpu.memref_slice %arg5[%add3A_18, %dma_wait3A_32] : memref<16384x128xf32, #tpu.memory_space<hbm>> -> memref<128x128xf32, #tpu.memory_space<hbm>>
        %dma_wait3A_34 = arith.constant 0 : i32
        %dma_wait3A_35 = tpu.memref_slice %arg5[%add3A_18, %dma_wait3A_34] : memref<16384x128xf32, #tpu.memory_space<hbm>> -> memref<128x128xf32, #tpu.memory_space<hbm>>
        tpu.wait_dma2 semaphore(%run_scoped3A : memref<!tpu.dma_semaphore, #tpu.memory_space<semaphore_mem>>) src(%arg9 : memref<128x128xf32, #tpu.memory_space<vmem>>) dst(%dma_wait3A_35 : memref<128x128xf32, #tpu.memory_space<hbm>>)
        tpu.yield
      }) : () -> ()
      %dma_start3A_19 = tpu.memref_slice %arg8[%add3A_11] : memref<512xi32, #tpu.memory_space<vmem>> -> memref<128xi32, #tpu.memory_space<vmem>>
      %dma_start3A_20 = arith.constant 0 : i32
      %dma_start3A_21 = arith.constant 0 : i32
      %dma_start3A_22 = tpu.memref_slice %arg4[%dma_start3A_20, %dma_start3A_21] : memref<500224x128xf32, #tpu.memory_space<hbm>> -> memref<500224x128xf32, #tpu.memory_space<hbm>>
      tpu.enqueue_indirect_dma source(%dma_start3A_22 : memref<500224x128xf32, #tpu.memory_space<hbm>>) target(%arg10 : memref<128x128xf32, #tpu.memory_space<vmem>>) offsets(%dma_start3A_19 : memref<128xi32, #tpu.memory_space<vmem>>) semaphore(%arg11 : memref<!tpu.dma_semaphore, #tpu.memory_space<semaphore_mem>>)
      %dma_wait3A_23 = tpu.memref_slice %arg8[%add3A_11] : memref<512xi32, #tpu.memory_space<vmem>> -> memref<128xi32, #tpu.memory_space<vmem>>
      %dma_wait3A_24 = arith.constant 0 : i32
      %dma_wait3A_25 = arith.constant 0 : i32
      %dma_wait3A_26 = tpu.memref_slice %arg4[%dma_wait3A_24, %dma_wait3A_25] : memref<500224x128xf32, #tpu.memory_space<hbm>> -> memref<500224x128xf32, #tpu.memory_space<hbm>>
      tpu.wait_indirect_dma semaphore(%arg11 : memref<!tpu.dma_semaphore, #tpu.memory_space<semaphore_mem>>) src(%dma_wait3A_26 : memref<500224x128xf32, #tpu.memory_space<hbm>>) dst(%arg10 : memref<128x128xf32, #tpu.memory_space<vmem>>)
      %add3A_27 = arith.addi %mul3A_2, %add3A_11 : i32
      "tpu.region"() ({
        %run_scoped3A = tpu.sem_alloc : memref<!tpu.dma_semaphore, #tpu.memory_space<semaphore_mem>>
        %dma_start3A_28 = arith.constant 0 : i32
        %dma_start3A_29 = tpu.memref_slice %arg6[%add3A_27, %dma_start3A_28] : memref<16384x128xf32, #tpu.memory_space<hbm>> -> memref<128x128xf32, #tpu.memory_space<hbm>>
        %dma_start3A_30 = arith.constant 0 : i32
        %dma_start3A_31 = tpu.memref_slice %arg6[%add3A_27, %dma_start3A_30] : memref<16384x128xf32, #tpu.memory_space<hbm>> -> memref<128x128xf32, #tpu.memory_space<hbm>>
        tpu.enqueue_dma source(%arg10 : memref<128x128xf32, #tpu.memory_space<vmem>>) target(%dma_start3A_31 : memref<128x128xf32, #tpu.memory_space<hbm>>) target_semaphore(%run_scoped3A : memref<!tpu.dma_semaphore, #tpu.memory_space<semaphore_mem>>)
        %dma_wait3A_32 = arith.constant 0 : i32
        %dma_wait3A_33 = tpu.memref_slice %arg6[%add3A_27, %dma_wait3A_32] : memref<16384x128xf32, #tpu.memory_space<hbm>> -> memref<128x128xf32, #tpu.memory_space<hbm>>
        %dma_wait3A_34 = arith.constant 0 : i32
        %dma_wait3A_35 = tpu.memref_slice %arg6[%add3A_27, %dma_wait3A_34] : memref<16384x128xf32, #tpu.memory_space<hbm>> -> memref<128x128xf32, #tpu.memory_space<hbm>>
        tpu.wait_dma2 semaphore(%run_scoped3A : memref<!tpu.dma_semaphore, #tpu.memory_space<semaphore_mem>>) src(%arg10 : memref<128x128xf32, #tpu.memory_space<vmem>>) dst(%dma_wait3A_35 : memref<128x128xf32, #tpu.memory_space<hbm>>)
        tpu.yield
      }) : () -> ()
    }
    %scan3A_6 = arith.constant 4 : i32
    return
  }
}

module attributes {stable_mosaic.version = 14 : i64} {
  func.func @_tc_tr_body(%arg0: i32, %arg1: memref<64x512xf32, #tpu.memory_space<vmem>>, %arg2: memref<64x512xf32, #tpu.memory_space<vmem>>, %arg3: memref<512x128xf32, #tpu.memory_space<vmem>>) attributes {dimension_semantics = [#tpu.dimension_semantics<arbitrary>], iteration_bounds = array<i64: 977>, scalar_prefetch = 0 : i64, scratch_operands = 0 : i64, tpu.core_type = #tpu.core_type<tc>, window_params = [{transform_indices = @transform_0, window_bounds = array<i64: 64, 512>}, {transform_indices = @transform_1, window_bounds = array<i64: 64, 512>}, {transform_indices = @transform_2, window_bounds = array<i64: 512, 128>}]} {
    %get3A = arith.constant 0 : index
    %get3A_0 = arith.constant 0 : index
    %get3A_1 = vector.load %arg1[%get3A, %get3A_0] : memref<64x512xf32, #tpu.memory_space<vmem>>, vector<64x512xf32>
    %transpose3A = tpu.transpose %get3A_1, [1, 0] : vector<64x512xf32> -> vector<512x64xf32>
    %swap3A = arith.constant 0 : index
    %swap3A_2 = arith.constant 0 : index
    %swap3A_3 = vector.load %arg3[%swap3A, %swap3A_2] : memref<512x128xf32, #tpu.memory_space<vmem>>, vector<512x64xf32>
    tpu.vector_store %arg3[%swap3A, %swap3A_2], %transpose3A {strides = array<i32>} : memref<512x128xf32, #tpu.memory_space<vmem>>, vector<512x64xf32>,
    %get3A_4 = arith.constant 0 : index
    %get3A_5 = arith.constant 0 : index
    %get3A_6 = vector.load %arg2[%get3A_4, %get3A_5] : memref<64x512xf32, #tpu.memory_space<vmem>>, vector<64x512xf32>
    %transpose3A_7 = tpu.transpose %get3A_6, [1, 0] : vector<64x512xf32> -> vector<512x64xf32>
    %swap3A_8 = arith.constant 0 : index
    %swap3A_9 = arith.constant 64 : index
    %swap3A_10 = vector.load %arg3[%swap3A_8, %swap3A_9] : memref<512x128xf32, #tpu.memory_space<vmem>>, vector<512x64xf32>
    tpu.vector_store %arg3[%swap3A_8, %swap3A_9], %transpose3A_7 {strides = array<i32>} : memref<512x128xf32, #tpu.memory_space<vmem>>, vector<512x64xf32>,
    return
  }
  func.func @transform_0(%arg0: i32) -> (i32, i32) {
    %c0_i32 = arith.constant 0 : i32
    %c0_i32_0 = arith.constant 0 : i32
    return %c0_i32, %arg0 : i32, i32
  }
  func.func @transform_1(%arg0: i32) -> (i32, i32) {
    %add3A = arith.constant 977 : i32
    %add3A_0 = arith.addi %arg0, %add3A : i32
    %c0_i32 = arith.constant 0 : i32
    %c0_i32_1 = arith.constant 0 : i32
    return %c0_i32, %add3A_0 : i32, i32
  }
  func.func @transform_2(%arg0: i32) -> (i32, i32) {
    %c0_i32 = arith.constant 0 : i32
    %c0_i32_0 = arith.constant 0 : i32
    return %arg0, %c0_i32 : i32, i32
  }
}

module attributes {stable_mosaic.version = 14 : i64} {
  func.func @_tc_score_body(%arg0: i32, %arg1: memref<256x128xf32, #tpu.memory_space<vmem>>, %arg2: memref<256x128xf32, #tpu.memory_space<vmem>>, %arg3: memref<256x1xf32, #tpu.memory_space<vmem>>, %arg4: memref<256x1xf32, #tpu.memory_space<vmem>>, %arg5: memref<256x2176xf32, #tpu.memory_space<vmem>>, %arg6: memref<64x2048xf32, #tpu.memory_space<vmem>>, %arg7: memref<256xf32, #tpu.memory_space<vmem>>) attributes {dimension_semantics = [#tpu.dimension_semantics<arbitrary>], iteration_bounds = array<i64: 64>, scalar_prefetch = 0 : i64, scratch_operands = 0 : i64, tpu.core_type = #tpu.core_type<tc>, window_params = [{transform_indices = @transform_0, window_bounds = array<i64: 256, 128>}, {transform_indices = @transform_1, window_bounds = array<i64: 256, 128>}, {transform_indices = @transform_2, window_bounds = array<i64: 256, 1>}, {transform_indices = @transform_3, window_bounds = array<i64: 256, 1>}, {transform_indices = @transform_4, window_bounds = array<i64: 256, 2176>}, {pipeline_mode = #tpu.pipeline_mode<synchronous>, transform_indices = @transform_5, window_bounds = array<i64: 64, 2048>}, {transform_indices = @transform_6, window_bounds = array<i64: 256>}]} {
    %get3A = arith.constant 0 : index
    %get3A_0 = arith.constant 0 : index
    %get3A_1 = vector.load %arg1[%get3A, %get3A_0] : memref<256x128xf32, #tpu.memory_space<vmem>>, vector<256x128xf32>
    %get3A_2 = arith.constant 0 : index
    %get3A_3 = arith.constant 0 : index
    %get3A_4 = vector.load %arg2[%get3A_2, %get3A_3] : memref<256x128xf32, #tpu.memory_space<vmem>>, vector<256x128xf32>
    %get3A_5 = arith.constant 0 : index
    %get3A_6 = arith.constant 0 : index
    %get3A_7 = vector.load %arg3[%get3A_5, %get3A_6] : memref<256x1xf32, #tpu.memory_space<vmem>>, vector<256x1xf32>
    %get3A_8 = arith.constant 0 : index
    %get3A_9 = arith.constant 0 : index
    %get3A_10 = vector.load %arg4[%get3A_8, %get3A_9] : memref<256x1xf32, #tpu.memory_space<vmem>>, vector<256x1xf32>
    %slice3A = vector.extract_strided_slice %get3A_1 {offsets = [0, 0], sizes = [256, 64], strides = [1, 1]} : vector<256x128xf32> to vector<256x64xf32>
    %slice3A_11 = vector.extract_strided_slice %get3A_1 {offsets = [0, 64], sizes = [256, 64], strides = [1, 1]} : vector<256x128xf32> to vector<256x64xf32>
    %slice3A_12 = vector.extract_strided_slice %get3A_1 {offsets = [0, 0], sizes = [256, 64], strides = [1, 1]} : vector<256x128xf32> to vector<256x64xf32>
    %sub3A = arith.subf %slice3A_11, %slice3A_12 : vector<256x64xf32>
    %mul3A = vector.broadcast %get3A_7 : vector<256x1xf32> to vector<256x64xf32>
    %mul3A_13 = arith.mulf %sub3A, %mul3A : vector<256x64xf32>
    %add3A = arith.addf %slice3A, %mul3A_13 : vector<256x64xf32>
    %slice3A_14 = vector.extract_strided_slice %get3A_4 {offsets = [0, 0], sizes = [256, 64], strides = [1, 1]} : vector<256x128xf32> to vector<256x64xf32>
    %slice3A_15 = vector.extract_strided_slice %get3A_4 {offsets = [0, 64], sizes = [256, 64], strides = [1, 1]} : vector<256x128xf32> to vector<256x64xf32>
    %slice3A_16 = vector.extract_strided_slice %get3A_4 {offsets = [0, 0], sizes = [256, 64], strides = [1, 1]} : vector<256x128xf32> to vector<256x64xf32>
    %sub3A_17 = arith.subf %slice3A_15, %slice3A_16 : vector<256x64xf32>
    %mul3A_18 = vector.broadcast %get3A_10 : vector<256x1xf32> to vector<256x64xf32>
    %mul3A_19 = arith.mulf %sub3A_17, %mul3A_18 : vector<256x64xf32>
    %add3A_20 = arith.addf %slice3A_14, %mul3A_19 : vector<256x64xf32>
    %sub3A_21 = arith.subf %add3A, %add3A_20 : vector<256x64xf32>
    %get3A_22 = arith.constant 0 : index
    %get3A_23 = arith.constant 0 : index
    %get3A_24 = vector.load %arg6[%get3A_22, %get3A_23] : memref<64x2048xf32, #tpu.memory_space<vmem>>, vector<64x2048xf32>
    %dot_general3A = arith.constant dense<0.000000e+00> : vector<256x2048xf32>
    %dot_general3A_25 = tpu.matmul %sub3A_21, %get3A_24, %dot_general3A {dimension_numbers = #tpu.dot_dimension_numbers<[1], [0], [0], [1], [0, 0, 1, 1], [], []>, transpose_lhs_hint = false} : vector<256x64xf32>, vector<64x2048xf32>, vector<256x2048xf32> -> vector<256x2048xf32>
    %get3A_26 = arith.constant 0 : index
    %get3A_27 = arith.constant 0 : index
    %get3A_28 = vector.load %arg5[%get3A_26, %get3A_27] : memref<256x2176xf32, #tpu.memory_space<vmem>>, vector<256x2048xf32>
    %mul3A_29 = arith.mulf %dot_general3A_25, %get3A_28 : vector<256x2048xf32>
    %slice3A_30 = vector.extract_strided_slice %mul3A_29 {offsets = [0, 0], sizes = [256, 128], strides = [1, 1]} : vector<256x2048xf32> to vector<256x128xf32>
    %slice3A_31 = vector.extract_strided_slice %mul3A_29 {offsets = [0, 128], sizes = [256, 128], strides = [1, 1]} : vector<256x2048xf32> to vector<256x128xf32>
    %add3A_32 = arith.addf %slice3A_30, %slice3A_31 : vector<256x128xf32>
    %slice3A_33 = vector.extract_strided_slice %mul3A_29 {offsets = [0, 256], sizes = [256, 128], strides = [1, 1]} : vector<256x2048xf32> to vector<256x128xf32>
    %add3A_34 = arith.addf %add3A_32, %slice3A_33 : vector<256x128xf32>
    %slice3A_35 = vector.extract_strided_slice %mul3A_29 {offsets = [0, 384], sizes = [256, 128], strides = [1, 1]} : vector<256x2048xf32> to vector<256x128xf32>
    %add3A_36 = arith.addf %add3A_34, %slice3A_35 : vector<256x128xf32>
    %slice3A_37 = vector.extract_strided_slice %mul3A_29 {offsets = [0, 512], sizes = [256, 128], strides = [1, 1]} : vector<256x2048xf32> to vector<256x128xf32>
    %add3A_38 = arith.addf %add3A_36, %slice3A_37 : vector<256x128xf32>
    %slice3A_39 = vector.extract_strided_slice %mul3A_29 {offsets = [0, 640], sizes = [256, 128], strides = [1, 1]} : vector<256x2048xf32> to vector<256x128xf32>
    %add3A_40 = arith.addf %add3A_38, %slice3A_39 : vector<256x128xf32>
    %slice3A_41 = vector.extract_strided_slice %mul3A_29 {offsets = [0, 768], sizes = [256, 128], strides = [1, 1]} : vector<256x2048xf32> to vector<256x128xf32>
    %add3A_42 = arith.addf %add3A_40, %slice3A_41 : vector<256x128xf32>
    %slice3A_43 = vector.extract_strided_slice %mul3A_29 {offsets = [0, 896], sizes = [256, 128], strides = [1, 1]} : vector<256x2048xf32> to vector<256x128xf32>
    %add3A_44 = arith.addf %add3A_42, %slice3A_43 : vector<256x128xf32>
    %slice3A_45 = vector.extract_strided_slice %mul3A_29 {offsets = [0, 1024], sizes = [256, 128], strides = [1, 1]} : vector<256x2048xf32> to vector<256x128xf32>
    %add3A_46 = arith.addf %add3A_44, %slice3A_45 : vector<256x128xf32>
    %slice3A_47 = vector.extract_strided_slice %mul3A_29 {offsets = [0, 1152], sizes = [256, 128], strides = [1, 1]} : vector<256x2048xf32> to vector<256x128xf32>
    %add3A_48 = arith.addf %add3A_46, %slice3A_47 : vector<256x128xf32>
    %slice3A_49 = vector.extract_strided_slice %mul3A_29 {offsets = [0, 1280], sizes = [256, 128], strides = [1, 1]} : vector<256x2048xf32> to vector<256x128xf32>
    %add3A_50 = arith.addf %add3A_48, %slice3A_49 : vector<256x128xf32>
    %slice3A_51 = vector.extract_strided_slice %mul3A_29 {offsets = [0, 1408], sizes = [256, 128], strides = [1, 1]} : vector<256x2048xf32> to vector<256x128xf32>
    %add3A_52 = arith.addf %add3A_50, %slice3A_51 : vector<256x128xf32>
    %slice3A_53 = vector.extract_strided_slice %mul3A_29 {offsets = [0, 1536], sizes = [256, 128], strides = [1, 1]} : vector<256x2048xf32> to vector<256x128xf32>
    %add3A_54 = arith.addf %add3A_52, %slice3A_53 : vector<256x128xf32>
    %slice3A_55 = vector.extract_strided_slice %mul3A_29 {offsets = [0, 1664], sizes = [256, 128], strides = [1, 1]} : vector<256x2048xf32> to vector<256x128xf32>
    %add3A_56 = arith.addf %add3A_54, %slice3A_55 : vector<256x128xf32>
    %slice3A_57 = vector.extract_strided_slice %mul3A_29 {offsets = [0, 1792], sizes = [256, 128], strides = [1, 1]} : vector<256x2048xf32> to vector<256x128xf32>
    %add3A_58 = arith.addf %add3A_56, %slice3A_57 : vector<256x128xf32>
    %slice3A_59 = vector.extract_strided_slice %mul3A_29 {offsets = [0, 1920], sizes = [256, 128], strides = [1, 1]} : vector<256x2048xf32> to vector<256x128xf32>
    %add3A_60 = arith.addf %add3A_58, %slice3A_59 : vector<256x128xf32>
    %slice3A_61 = vector.extract_strided_slice %add3A_60 {offsets = [0, 0], sizes = [256, 32], strides = [1, 1]} : vector<256x128xf32> to vector<256x32xf32>
    %slice3A_62 = vector.extract_strided_slice %add3A_60 {offsets = [0, 32], sizes = [256, 32], strides = [1, 1]} : vector<256x128xf32> to vector<256x32xf32>
    %add3A_63 = arith.addf %slice3A_61, %slice3A_62 : vector<256x32xf32>
    %slice3A_64 = vector.extract_strided_slice %add3A_60 {offsets = [0, 64], sizes = [256, 32], strides = [1, 1]} : vector<256x128xf32> to vector<256x32xf32>
    %add3A_65 = arith.addf %add3A_63, %slice3A_64 : vector<256x32xf32>
    %slice3A_66 = vector.extract_strided_slice %add3A_60 {offsets = [0, 96], sizes = [256, 32], strides = [1, 1]} : vector<256x128xf32> to vector<256x32xf32>
    %add3A_67 = arith.addf %add3A_65, %slice3A_66 : vector<256x32xf32>
    %get3A_68 = arith.constant 0 : index
    %get3A_69 = arith.constant 2048 : index
    %get3A_70 = vector.load %arg5[%get3A_68, %get3A_69] : memref<256x2176xf32, #tpu.memory_space<vmem>>, vector<256x32xf32>
    %add3A_71 = arith.addf %add3A_67, %get3A_70 : vector<256x32xf32>
    %mul3A_72 = arith.mulf %add3A_71, %add3A_71 : vector<256x32xf32>
    %reduce_sum3A = arith.constant dense<0.000000e+00> : vector<256xf32>
    %reduce_sum3A_73 = vector.multi_reduction <add>, %mul3A_72, %reduce_sum3A [1] : vector<256x32xf32> to vector<256xf32>
    %sqrt3A = math.sqrt %reduce_sum3A_73 : vector<256xf32>
    %swap3A = arith.constant 0 : index
    %swap3A_74 = vector.load %arg7[%swap3A] : memref<256xf32, #tpu.memory_space<vmem>>, vector<256xf32>
    tpu.vector_store %arg7[%swap3A], %sqrt3A {strides = array<i32>} : memref<256xf32, #tpu.memory_space<vmem>>, vector<256xf32>,
    return
  }
  func.func @transform_0(%arg0: i32) -> (i32, i32) {
    %c0_i32 = arith.constant 0 : i32
    %c0_i32_0 = arith.constant 0 : i32
    return %arg0, %c0_i32 : i32, i32
  }
  func.func @transform_1(%arg0: i32) -> (i32, i32) {
    %c0_i32 = arith.constant 0 : i32
    %c0_i32_0 = arith.constant 0 : i32
    return %arg0, %c0_i32 : i32, i32
  }
  func.func @transform_2(%arg0: i32) -> (i32, i32) {
    %c0_i32 = arith.constant 0 : i32
    %c0_i32_0 = arith.constant 0 : i32
    return %arg0, %c0_i32 : i32, i32
  }
  func.func @transform_3(%arg0: i32) -> (i32, i32) {
    %c0_i32 = arith.constant 0 : i32
    %c0_i32_0 = arith.constant 0 : i32
    return %arg0, %c0_i32 : i32, i32
  }
  func.func @transform_4(%arg0: i32) -> (i32, i32) {
    %c0_i32 = arith.constant 0 : i32
    %c0_i32_0 = arith.constant 0 : i32
    return %arg0, %c0_i32 : i32, i32
  }
  func.func @transform_5(%arg0: i32) -> (i32, i32) {
    %c0_i32 = arith.constant 0 : i32
    %c0_i32_0 = arith.constant 0 : i32
    %c0_i32_1 = arith.constant 0 : i32
    return %c0_i32, %c0_i32_0 : i32, i32
  }
  func.func @transform_6(%arg0: i32) -> i32 {
    %c0_i32 = arith.constant 0 : i32
    return %arg0 : i32
  }
}

</mosaic_0001>

<sc_bundles>
// kernel: kernel.6.cloned.1.call-start
scs
__scs_entry_jumppad:
0x0: {  	(pc) =	sbr.rel $0x88, $3  }
0x1: {  	(tag) =	ssettag $0x0;
	lr =	simm.s32 $0x1  }
0x2: {  	[smem:$0x3F9B] =	sst lr;
	_ =	strace $0xD0000000  }
0x3: {  	_ = 	snop  }
0x4: {  	_ = 	snop  }
0x5: {  	_ = 	snop  }
0x6: {  	_ = 	snop  }
0x7: {  	_ = 	snop  }
__scs_overlays_trampoline_lowered:
0x8: {  	[smem:$0x3FAA] =	sst s0  }
0x9: {  	[smem:$0x3FAB] =	sst s1  }
0xa: {  	[smem:$0x3FAC] =	sst s2  }
0xb: {  	[smem:$0x3FAD] =	sst s3  }
0xc: {  	[smem:$0x3FAE] =	sst s4  }
0xd: {  	[smem:$0x3FAF] =	sst s5  }
0xe: {  	[smem:$0x3FB0] =	sst s6  }
0xf: {  	[smem:$0x3FB1] =	sst s7  }
0x10: {  	[smem:$0x3FB2] =	sst s8  }
0x11: {  	[smem:$0x3FB3] =	sst s9;
	s0 =	simm.s32 @!p0 $0x0  }
0x12: {  	s1 =	sld [smem:$0x3F99];
	s0 =	simm.s32 @p0 $0x1  }
0x13: {  	[smem:$0x3FB4] =	sst s0;
	s0 =	simm.s32 @!p1 $0x0  }
0x14: {  	s2 =	sld [smem:$0x3F98];
	s0 =	simm.s32 @p1 $0x1  }
0x15: {  	[smem:$0x3FB5] =	sst s0;
	s0 =	simm.s32 @!p2 $0x0  }
0x16: {  	s3 =	sld [smem:$0x3FDB];
	s0 =	simm.s32 @p2 $0x1  }
0x17: {  	s4 =	simm.s32 $0x1BF5;
	[smem:$0x3FB7] =	sst s0  }
0x18: {  	s0 =	sld [smem:$0x3F9A];
	_ =	swait.ge [sflag:s4], $0x0  }
0x19: {  	s7 =	sld [smem:$0x3F9B]  }
0x1a: {  	s8 =	sadd.s32 $0xFFFFE003, lr  }
0x1b: {  	s9 =	sadd.s32 $0xFFFFFEF7, lr;
	s5 =	simm.s32 $0xFFFFFFFF;
	p2 =	slt.u32 s8, $0xFFFFF086  }
0x1c: {  	p1 =	slt.u32 s9, $0xF7A;
	s5 =	simm.s32 @!p2 $0x0  }
0x1d: {  	s5 =	simm.s32 @p1 $0x1;
	p0 =	seq.s32 s7, s2  }
0x1e: {  	s7 =	smul.u32 @!p0 $0xF7A, s2;
	p2 =	seq.s32 @!p0 s5, $0x0  }
0x1f: {  	s9 =	smul.u32 $0xF7A, s1;
	s8 =	simm.s32 @!p0 $0x1BF5;
	p2 =	por !p2, p0  }
0x20: {  	[sflag:s8] =	ssyncset.s32 @!p0 $0xFFFFF086;
	s6 =	sadd.s32 @!p0 s3, s7;
	s7 =	simm.s32 @!p0 $0x108  }
0x21: {  	s3 =	sadd.s32 s3, s9;
	s6 =	sadd.s32 @!p0 $0x88, s6;
	s7 =	simm.s32 @p2 $0x1082  }
0x22: {  	[simem:s7], [sflag:s8] =	dma.local @!p0 [hbm:s6], $0xF7A  }
0x23: {  	s9 =	sor.u32 $0xD0000000, s2;
	s6 =	simm.s32 $0x108;
	_ =	swait.ge @!p0 [sflag:s8], $0x0  }
0x24: {  	s3 =	sadd.s32 $0x88, s3;
	s6 =	simm.s32 @!p1 $0x1082;
	[sflag:s4] =	ssyncset.s32 $0xFFFFF086  }
0x25: {  	[simem:s6], [sflag:s4] =	dma.local [hbm:s3], $0xF7A  }
0x26: {  	[smem:$0x3F9B] =	sst s1;
	(tag) =	ssettag s2;
	_ =	strace s9  }
0x27: {  	s1 =	sld [smem:$0x3FAB]  }
0x28: {  	s2 =	sld [smem:$0x3FAC]  }
0x29: {  	s4 =	sld [smem:$0x3FAE]  }
0x2a: {  	p0 =	seq.s32 s5, $0x0;
	s5 =	sld [smem:$0x3FAF]  }
0x2b: {  	s6 =	sld [smem:$0x3FB0]  }
0x2c: {  	s7 =	sld [smem:$0x3FB1]  }
0x2d: {  	s3 =	simm.s32 $0x108;
	s8 =	sld [smem:$0x3FB2]  }
0x2e: {  	s3 =	simm.s32 @!p0 $0x1082;
	s9 =	sld [smem:$0x3FB3]  }
0x2f: {  	lr =	sadd.s32 s0, s3;
	s0 =	sld [smem:$0x3FAA]  }
0x30: {  	s3 =	sld [smem:$0x3FAD]  }
0x31: {  	[smem:$0x3FB6] =	sst s10  }
0x32: {  	s10 =	sld [smem:$0x3FB4];
	_ =	sdelay $0x3  }
0x33: {  	p0 =	seq.s32 s10, $0x1;
	s10 =	sld [smem:$0x3FB6];
	_ =	sdelay $0x3  }
0x34: {  	[smem:$0x3FB6] =	sst s10  }
0x35: {  	s10 =	sld [smem:$0x3FB5];
	_ =	sdelay $0x3  }
0x36: {  	p1 =	seq.s32 s10, $0x1;
	s10 =	sld [smem:$0x3FB6];
	_ =	sdelay $0x3  }
0x37: {  	[smem:$0x3FB6] =	sst s10  }
0x38: {  	s10 =	sld [smem:$0x3FB7]  }
0x39: {  	_ = 	snop;
	(pc) =	sbr.ind lr, $3  }
0x3a: {  	_ = 	snop  }
0x3b: {  	_ = 	snop  }
0x3c: {  	p2 =	seq.s32 s10, $0x1;
	s10 =	sld [smem:$0x3FB6]  }
0x3d: {  	_ =	shalt  }
0x3e: {  	_ =	shalt  }
0x3f: {  	_ =	shalt  }
0x40: {  	_ =	shalt  }
0x41: {  	_ =	shalt  }
0x42: {  	_ =	shalt  }
0x43: {  	_ =	shalt  }
0x44: {  	_ =	shalt  }
0x45: {  	_ =	shalt  }
0x46: {  	_ =	shalt  }
0x47: {  	_ =	shalt  }
0x48: {  	_ =	shalt  }
0x49: {  	_ =	shalt  }
0x4a: {  	_ =	shalt  }
0x4b: {  	_ =	shalt  }
0x4c: {  	_ =	shalt  }
0x4d: {  	_ =	shalt  }
0x4e: {  	_ =	shalt  }
0x4f: {  	_ =	shalt  }
0x50: {  	_ =	shalt  }
0x51: {  	_ =	shalt  }
0x52: {  	_ =	shalt  }
0x53: {  	_ =	shalt  }
0x54: {  	_ =	shalt  }
0x55: {  	_ =	shalt  }
0x56: {  	_ =	shalt  }
0x57: {  	_ =	shalt  }
0x58: {  	_ =	shalt  }
0x59: {  	_ =	shalt  }
0x5a: {  	_ =	shalt  }
0x5b: {  	_ =	shalt  }
0x5c: {  	_ =	shalt  }
0x5d: {  	_ =	shalt  }
0x5e: {  	_ =	shalt  }
0x5f: {  	_ =	shalt  }
0x60: {  	_ =	shalt  }
0x61: {  	_ =	shalt  }
0x62: {  	_ =	shalt  }
0x63: {  	_ =	shalt  }
0x64: {  	_ =	shalt  }
0x65: {  	_ =	shalt  }
0x66: {  	_ =	shalt  }
0x67: {  	_ =	shalt  }
0x68: {  	_ =	shalt  }
0x69: {  	_ =	shalt  }
0x6a: {  	_ =	shalt  }
0x6b: {  	_ =	shalt  }
0x6c: {  	_ =	shalt  }
0x6d: {  	_ =	shalt  }
0x6e: {  	_ =	shalt  }
0x6f: {  	_ =	shalt  }
0x70: {  	_ =	shalt  }
0x71: {  	_ =	shalt  }
0x72: {  	_ =	shalt  }
0x73: {  	_ =	shalt  }
0x74: {  	_ =	shalt  }
0x75: {  	_ =	shalt  }
0x76: {  	_ =	shalt  }
0x77: {  	_ =	shalt  }
0x78: {  	_ =	shalt  }
0x79: {  	_ =	shalt  }
0x7a: {  	_ =	shalt  }
0x7b: {  	_ =	shalt  }
0x7c: {  	_ =	shalt  }
0x7d: {  	_ =	shalt  }
0x7e: {  	_ =	shalt  }
0x7f: {  	_ =	shalt  }
0x80: {  	_ =	shalt  }
0x81: {  	_ =	shalt  }
0x82: {  	_ =	shalt  }
0x83: {  	_ =	shalt  }
0x84: {  	_ =	shalt  }
0x85: {  	_ =	shalt  }
0x86: {  	_ =	shalt  }
0x87: {  	_ =	shalt  }
.Lfunc_end0:
.L_simem_size_0:
called_computation_lowered:
.L_overlay_start_0:
0x88: {  	s2 =	sld [smem:$0x3FD9]  }
0x89: {  	s3 =	sld [smem:$0x3FFE];
	_ =	sdelay $0x1  }
0x8a: {  	s1 =	srdreg.scid  }
0x8b: {  	s0 =	sand.u32 $0x1, s1  }
0x8c: {  	s17 =	sshll.u32 s0, $0xA;
	s2 =	sadd.s32 s3, s2  }
0x8d: {  	s2 =	sadd.s32 s2, s17  }
0x8e: {  	[smem:$0x3FC2] =	sst s2  }
0x8f: {  	_ = 	snop  }
0x90: {  	s2 =	sld [smem:$0x3FC8];
	(tm) =	ssettm $0x1  }
0x91: {  	s18 =	sld [smem:$0x3FFB];
	_ =	sdelay $0x3  }
0x92: {  	_ =	strace s18  }
0x93: {  	s3 =	sld [smem:$0x3FFC];
	_ =	sdelay $0x3  }
0x94: {  	_ =	strace s3  }
0x95: {  	s3 =	sld [smem:$0x3FFD];
	_ =	sdelay $0x3  }
0x96: {  	_ =	strace s3  }
0x97: {  	_ =	strace $0x8FFFFFFF  }
0x98: {  	s19 =	sld [smem:$0x3FDB];
	_ =	sdelay $0x1  }
0x99: {  	s4 =	simm.s32 $_scs_section_size  }
0x9a: {  	s5 =	simm.s32 $_size__tile_overlayer_lowered;
	s6 =	simm.s32 $_tile_overlayer_lowered  }
0x9b: {  	s22 =	simm.s32 $0x1BFF;
	s21 =	sshll.u32 s6, $0x1;
	s3 =	sadd.s32 s4, s19  }
0x9c: {  	s7 =	simm.s32 $0x0;
	s20 =	sshll.u32 s5, $0x1;
	s5 =	sadd.s32 s21, s3  }
0x9d: {  	[timem:s7], [sflag:s22] =	dma.local [hbm:s5], s20  }
0x9e: {  	_ =	swait.ge [sflag:s22], s20  }
0x9f: {  	s4 =	ssub.s32 $0x0, s20;
	[sflag:s22] =	ssyncset.done $0x0  }
0xa0: {  	[sflag:s22] =	ssyncadd.s32 s4;
	_ =	sdelay $0x1  }
0xa1: {  	s23 =	simm.s32 $0x1B8B  }
0xa2: {  	_ =	swait.ge [sflag:s23], $0x1  }
0xa3: {  	[sflag:s23] =	ssyncset.done $0x0  }
0xa4: {  	s25 =	simm.s32 $0x1B8E;
	s24 =	sld [smem:$0x3FFE];
	[sflag:s23] =	ssyncadd.s32 $0xFFFFFFFF  }
0xa5: {  	s26 =	simm.s32 $execute0_lowered;
	[smem:$0x3FD2] =	sst s25  }
0xa6: {  	s5 =	sshll.u32 s26, $0x1;
	_ =	strace $0x80000046;
	[dreg:$0x1] =	wrdreg $0xFFFFFFFF  }
0xa7: {  	s28 =	simm.s32 $_size_execute0_lowered;
	s3 =	sadd.s32 s3, s5;
	[dreg:$0x0] =	wrdreg $0x0  }
0xa8: {  	s5 =	sshll.u32 s28, $0x1;
	[dreg:$0x2] =	wrdreg s3  }
0xa9: {  	[dreg:$0x3] =	wrdreg s5  }
0xaa: {  	[dreg:$0x4] =	wrdreg $0xC0  }
0xab: {  	_ =	task [dreg:s7], $0x5FFFF  }
0xac: {  	[dreg:$0x1] =	wrdreg $0xFFFFFFFF  }
0xad: {  	[dreg:$0x0] =	wrdreg $0x60  }
0xae: {  	[dreg:$0x2] =	wrdreg s2  }
0xaf: {  	[dreg:$0x3] =	wrdreg s24  }
0xb0: {  	[dreg:$0x4] =	wrdreg $0x9  }
0xb1: {  	_ =	task.clear_ibuf [dreg:s7], $0x5FFFF;
	_ =	strace $0x90000046  }
0xb2: {  	s29 =	simm.s32 $0x9;
	_ =	strace $0x80000048  }
0xb3: {  	_ =	swait.ge [sflag:s29], $0x1  }
0xb4: {  	[sflag:s29] =	ssyncadd.s32 $0xFFFFFFFF  }
0xb5: {  	_ =	strace $0x90000048  }
0xb6: {  	_ =	sfence  }
0xb7: {  	s30 =	sld [smem:$0x0];
	_ =	sdelay $0x2  }
0xb8: {  	s31 =	sshll.u32 s1, $0xD;
	s1 =	sshrl.u32 s1, $0x2  }
0xb9: {  	s3 =	sand.u32 $0x4000, s31;
	s1 =	sadd.s32 s1, s30  }
0xba: {  	s0 =	sor.u32 s3, s0;
	s1 =	sshll.u32 s1, $0x11  }
0xbb: {  	s0 =	sor.u32 s1, s0  }
0xbc: {  	s0 =	sadd.s32 $0x8F2B, s0  }
0xbd: {  	[sflag:s0] =	ssyncadd.remote.s32 $0x1  }
0xbe: {  	_ =	sfence.sel $0xFFFF  }
0xbf: {  	[dreg:$0x0] =	wrdreg $0xFFFFFFFF;
	(pc) =	sbr.abs _section_cstart, $3  }
0xc0: {  	[dreg:$0x1] =	wrdreg $0xFFFFFFFF  }
0xc1: {  	_ =	task.clear_ibuf [dreg:s7], $0x2FFFF;
	_ =	strace $0x9FFFFFFF  }
0xc2: {  	(tm) =	ssettm $0x7FFFFFFF  }
0xc3: {  	_ =	shalt  }
tec
execute0_lowered:
.L_overlay_start_1:
0x0: {  	(tag) =	ssettag $0x1  }
0x1: {  	s1 =	rddreg [dreg:$0x0]  }
0x2: {  	s0 =	rddreg [dreg:$0x1];
	s2 =	simm.s32 $0x0  }
0x3: {  	s20 =	simm.s32 $0xA00;
	[smem:$0x7FF] =	sst s2  }
0x4: {  	s21 =	simm.s32 $0x1200;
	_ =	strace $0x80000047;
	[dreg:$0x3] =	wrdreg s20  }
0x5: {  	s22 =	simm.s32 $0x1A00;
	[dreg:$0x4] =	wrdreg s21  }
0x6: {  	s23 =	simm.s32 $0x2200;
	[dreg:$0x5] =	wrdreg s22  }
0x7: {  	s3 =	srdreg.scid;
	s24 =	simm.s32 $0x2A00;
	[dreg:$0x6] =	wrdreg s23  }
0x8: {  	s5 =	stileid.u32;
	s7 =	simm.s32 $0x3200;
	[dreg:$0x7] =	wrdreg s24  }
0x9: {  	s26 =	simm.s32 $0x3A00;
	s8 =	simm.s32 $0x4200;
	[dreg:$0x8] =	wrdreg s7  }
0xa: {  	s9 =	simm.s32 $0x4600;
	s11 =	simm.s32 $0x4E00;
	[dreg:$0x9] =	wrdreg s26  }
0xb: {  	s12 =	simm.s32 $0x5600;
	s13 =	simm.s32 $0x5E00;
	[dreg:$0xa] =	wrdreg s8  }
0xc: {  	s15 =	simm.s32 $0x6600;
	s16 =	simm.s32 $0x6E00;
	[dreg:$0xb] =	wrdreg s9  }
0xd: {  	s17 =	simm.s32 $0x7600;
	s18 =	simm.s32 $0x7E00;
	[dreg:$0xc] =	wrdreg s11  }
0xe: {  	s19 =	simm.s32 $0x8600;
	s28 =	simm.s32 $0xFE00;
	[dreg:$0xd] =	wrdreg s12  }
0xf: {  	s29 =	simm.s32 $0x10600;
	s30 =	simm.s32 $0x10E00;
	[dreg:$0xe] =	wrdreg s13  }
0x10: {  	s31 =	simm.s32 $0x1;
	s4 =	sand.u32 $0x1, s3;
	[dreg:$0xf] =	wrdreg s15  }
0x11: {  	s5 =	sshll.u32 s5, $0xA;
	s3 =	sadd.s32 $0x1C00, s0;
	[dreg:$0x10] =	wrdreg s16  }
0x12: {  	s6 =	sshll.u32 s4, $0x9;
	s4 =	ssub.s32 $0x2, s4;
	[dreg:$0x11] =	wrdreg s17  }
0x13: {  	s7 =	sadd.s32 $0x1F00, s0;
	s8 =	sadd.s32 $0x2000, s0;
	[dreg:$0x12] =	wrdreg s18  }
0x14: {  	s9 =	sadd.s32 $0x2100, s0;
	[dreg:$0x13] =	wrdreg s19;
	s20 =	simm.s32 $0x8A00  }
0x15: {  	s11 =	sadd.s32 $0x2300, s0;
	s21 =	simm.s32 $0x9200;
	s12 =	sadd.s32 $0x2400, s0  }
0x16: {  	s22 =	simm.s32 $0x9A00;
	s24 =	simm.s32 $0xA200;
	s26 =	simm.s32 $0xAA00  }
0x17: {  	s15 =	simm.s32 $0x2;
	s16 =	simm.s32 $0x200;
	[dreg:$0x14] =	wrdreg s20  }
0x18: {  	s17 =	simm.s32 $0xB200;
	s18 =	simm.s32 $0xBA00;
	[dreg:$0x15] =	wrdreg s21  }
0x19: {  	s19 =	simm.s32 $0xC200;
	s5 =	sor.u32 s6, s5;
	[dreg:$0x16] =	wrdreg s22  }
0x1a: {  	s10 =	sshrl.u32 s4, $0x1;
	s6 =	sadd.s32 $0x1E00, s0;
	[dreg:$0x17] =	wrdreg s24  }
0x1b: {  	[dreg:$0x18] =	wrdreg s26;
	s20 =	simm.s32 $0xCA00;
	s21 =	simm.s32 $0xCE00  }
0x1c: {  	s22 =	simm.s32 $0xD600;
	s24 =	simm.s32 $0xE600;
	s5 =	sshrl.u32 s5, $0x3  }
0x1d: {  	s26 =	simm.s32 $0xF600;
	s4 =	ssub.s32 s4, s10;
	s25 =	smul.u32 $0x880, s5  }
0x1e: {  	s10 =	sadd.s32 $0x2200, s0;
	s1 =	sadd.s32 s1, s5;
	s5 =	sadd.s32 $0x1D00, s0  }
0x1f: {  	v2 =	vlaneseq.u32;
	s23 =	smax.u32 s4, $0x1;
	[dreg:$0x19] =	wrdreg s1;
	s14 =	sadd.s32 s25, s0  }
0x20: {  	vm0 =	vmmov $0xffff;
	vm1 =	vmmov $0xff;
	v1 =	vshrl.u32 v2, $0x3;
	[dreg:$0x1a] =	wrdreg s23;
	s23 =	simm.s32 $0xDE00;
	s25 =	sadd.s32 $0x44400, s14  }
0x21: {  	v0 =	vand.u32 $0x7, v2;
	v2 =	vor.u32 $0x8, v2;
	v1 =	vmul.u32 $0x8, v1;
	s1 =	simm.s32 $0x0;
	[dreg:$0x1b] =	wrdreg s25;
	s25 =	simm.s32 $0xEE00  }
.LBB2_1:
0x22: {  	[dreg:$0x1c] =	wrdreg s1  }
0x23: {  	s0 =	rddreg [dreg:$0x19]  }
0x24: {  	[tilespmem:s2], [sflag:$0x2] =	stream.linear.gather [hbm4b:s0+s2], $0x200, $0x38;
	[tilespmem:$0x11200] =	vst v63  }
0x25: {  	_ =	swait.ge [sflag:s15], $0x200  }
0x26: {  	[sflag:s15] =	ssyncset.done $0x0  }
0x27: {  	s4 =	simm.s32 $0x0;
	s14 =	rddreg [dreg:$0x1b];
	[sflag:s15] =	ssyncadd.s32 $0xFFFFFE00  }
.LBB2_2:
0x28: {  	s13 =	sshra.s32 s4, $0x2  }
0x29: {  	v3 =	vld [tilespmem:s13+$0x0];
	_ =	sdelay $0x4  }
0x2a: {  	v4 =	vshrl.u32 v3, $0x3  }
0x2b: {  	v4 =	vmul.u32 $0x88, v4  }
0x2c: {  	v3 =	vand.u32 $0x7, v3  }
0x2d: {  	v3 =	vor.u32 v3, v4  }
0x2e: {  	v4 =	vperm.xlane v3, v0;
	_ =	sdelay $0x1  }
0x2f: {  	v4 =	vadd.s32 v1, v4;
	_ =	sdelay $0x4  }
0x30: {  	[tilespmem:s16], [sflag:$0x1] =	stream.indirect_vreg.gather [hbm4b:s3+s2], $0x80, v4, vm0, $0xb8;
	[tilespmem:$0x11200] =	vst v63  }
0x31: {  	s1 =	rddreg [dreg:$0x3]  }
0x32: {  	[tilespmem:s1], [sflag:$0x1] =	stream.indirect_vreg.gather [hbm4b:s5+s2], $0x80, v4, vm0, $0xb8;
	[tilespmem:$0x11200] =	vst v63  }
0x33: {  	s0 =	rddreg [dreg:$0x4]  }
0x34: {  	[tilespmem:s0], [sflag:$0x1] =	stream.indirect_vreg.gather [hbm4b:s6+s2], $0x80, v4, vm0, $0xb8;
	[tilespmem:$0x11200] =	vst v63  }
0x35: {  	s1 =	rddreg [dreg:$0x5]  }
0x36: {  	[tilespmem:s1], [sflag:$0x1] =	stream.indirect_vreg.gather [hbm4b:s7+s2], $0x80, v4, vm0, $0xb8;
	[tilespmem:$0x11200] =	vst v63  }
0x37: {  	s0 =	rddreg [dreg:$0x6]  }
0x38: {  	[tilespmem:s0], [sflag:$0x1] =	stream.indirect_vreg.gather [hbm4b:s8+s2], $0x80, v4, vm0, $0xb8;
	[tilespmem:$0x11200] =	vst v63  }
0x39: {  	s1 =	rddreg [dreg:$0x7]  }
0x3a: {  	[tilespmem:s1], [sflag:$0x1] =	stream.indirect_vreg.gather [hbm4b:s9+s2], $0x80, v4, vm0, $0xb8;
	[tilespmem:$0x11200] =	vst v63  }
0x3b: {  	v3 =	vperm.xlane v3, v2;
	s0 =	rddreg [dreg:$0x8]  }
0x3c: {  	[tilespmem:s0], [sflag:$0x1] =	stream.indirect_vreg.gather [hbm4b:s10+s2], $0x80, v4, vm0, $0xb8;
	[tilespmem:$0x11200] =	vst v63  }
0x3d: {  	v3 =	vadd.s32 v1, v3;
	s1 =	rddreg [dreg:$0x9]  }
0x3e: {  	[tilespmem:s1], [sflag:$0x1] =	stream.indirect_vreg.gather [hbm4b:s11+s2], $0x80, v4, vm0, $0xb8;
	[tilespmem:$0x11200] =	vst v63  }
0x3f: {  	s0 =	rddreg [dreg:$0xa]  }
0x40: {  	[tilespmem:s0], [sflag:$0x1] =	stream.indirect_vreg.gather [hbm4b:s12+s2], $0x80, v4, vm1, $0xb8;
	[tilespmem:$0x11200] =	vst v63  }
0x41: {  	s1 =	rddreg [dreg:$0xb]  }
0x42: {  	[tilespmem:s1], [sflag:$0x1] =	stream.indirect_vreg.gather [hbm4b:s3+s2], $0x80, v3, vm0, $0xb8;
	[tilespmem:$0x11200] =	vst v63  }
0x43: {  	s0 =	rddreg [dreg:$0xc]  }
0x44: {  	[tilespmem:s0], [sflag:$0x1] =	stream.indirect_vreg.gather [hbm4b:s5+s2], $0x80, v3, vm0, $0xb8;
	[tilespmem:$0x11200] =	vst v63  }
0x45: {  	s1 =	rddreg [dreg:$0xd]  }
0x46: {  	[tilespmem:s1], [sflag:$0x1] =	stream.indirect_vreg.gather [hbm4b:s6+s2], $0x80, v3, vm0, $0xb8;
	[tilespmem:$0x11200] =	vst v63  }
0x47: {  	s0 =	rddreg [dreg:$0xe]  }
0x48: {  	[tilespmem:s0], [sflag:$0x1] =	stream.indirect_vreg.gather [hbm4b:s7+s2], $0x80, v3, vm0, $0xb8;
	[tilespmem:$0x11200] =	vst v63  }
0x49: {  	s1 =	rddreg [dreg:$0xf]  }
0x4a: {  	[tilespmem:s1], [sflag:$0x1] =	stream.indirect_vreg.gather [hbm4b:s8+s2], $0x80, v3, vm0, $0xb8;
	[tilespmem:$0x11200] =	vst v63  }
0x4b: {  	s0 =	rddreg [dreg:$0x10]  }
0x4c: {  	[tilespmem:s0], [sflag:$0x1] =	stream.indirect_vreg.gather [hbm4b:s9+s2], $0x80, v3, vm0, $0xb8;
	[tilespmem:$0x11200] =	vst v63  }
0x4d: {  	s1 =	rddreg [dreg:$0x11]  }
0x4e: {  	[tilespmem:s1], [sflag:$0x1] =	stream.indirect_vreg.gather [hbm4b:s10+s2], $0x80, v3, vm0, $0xb8;
	[tilespmem:$0x11200] =	vst v63  }
0x4f: {  	s0 =	rddreg [dreg:$0x12]  }
0x50: {  	[tilespmem:s0], [sflag:$0x1] =	stream.indirect_vreg.gather [hbm4b:s11+s2], $0x80, v3, vm0, $0xb8;
	[tilespmem:$0x11200] =	vst v63  }
0x51: {  	s1 =	rddreg [dreg:$0x13]  }
0x52: {  	[tilespmem:s1], [sflag:$0x1] =	stream.indirect_vreg.gather [hbm4b:s12+s2], $0x80, v3, vm1, $0xb8;
	[tilespmem:$0x11200] =	vst v63  }
0x53: {  	v3 =	vld [tilespmem:s13+$0x10];
	_ =	sdelay $0x4  }
0x54: {  	v63 =	vshrl.u32 v3, $0x3  }
0x55: {  	v4 =	vmul.u32 $0x88, v63  }
0x56: {  	v3 =	vand.u32 $0x7, v3  }
0x57: {  	v3 =	vor.u32 v3, v4  }
0x58: {  	v4 =	vperm.xlane v3, v0;
	_ =	sdelay $0x1  }
0x59: {  	v4 =	vadd.s32 v1, v4;
	_ =	sdelay $0x3  }
0x5a: {  	s13 =	rddreg [dreg:$0x14]  }
0x5b: {  	[tilespmem:s13], [sflag:$0x1] =	stream.indirect_vreg.gather [hbm4b:s3+s2], $0x80, v4, vm0, $0xb8;
	[tilespmem:$0x11200] =	vst v63  }
0x5c: {  	s1 =	rddreg [dreg:$0x15]  }
0x5d: {  	[tilespmem:s1], [sflag:$0x1] =	stream.indirect_vreg.gather [hbm4b:s5+s2], $0x80, v4, vm0, $0xb8;
	[tilespmem:$0x11200] =	vst v63  }
0x5e: {  	s13 =	rddreg [dreg:$0x16]  }
0x5f: {  	[tilespmem:s13], [sflag:$0x1] =	stream.indirect_vreg.gather [hbm4b:s6+s2], $0x80, v4, vm0, $0xb8;
	[tilespmem:$0x11200] =	vst v63  }
0x60: {  	s1 =	rddreg [dreg:$0x17]  }
0x61: {  	[tilespmem:s1], [sflag:$0x1] =	stream.indirect_vreg.gather [hbm4b:s7+s2], $0x80, v4, vm0, $0xb8;
	[tilespmem:$0x11200] =	vst v63  }
0x62: {  	s13 =	rddreg [dreg:$0x18]  }
0x63: {  	[tilespmem:s13], [sflag:$0x1] =	stream.indirect_vreg.gather [hbm4b:s8+s2], $0x80, v4, vm0, $0xb8;
	[tilespmem:$0x11200] =	vst v63  }
0x64: {  	_ = 	snop  }
0x65: {  	[tilespmem:s17], [sflag:$0x1] =	stream.indirect_vreg.gather [hbm4b:s9+s2], $0x80, v4, vm0, $0xb8;
	[tilespmem:$0x11200] =	vst v63  }
0x66: {  	v3 =	vperm.xlane v3, v2  }
0x67: {  	[tilespmem:s18], [sflag:$0x1] =	stream.indirect_vreg.gather [hbm4b:s10+s2], $0x80, v4, vm0, $0xb8;
	[tilespmem:$0x11200] =	vst v63  }
0x68: {  	v3 =	vadd.s32 v1, v3  }
0x69: {  	[tilespmem:s19], [sflag:$0x1] =	stream.indirect_vreg.gather [hbm4b:s11+s2], $0x80, v4, vm0, $0xb8;
	[tilespmem:$0x11200] =	vst v63  }
0x6a: {  	_ = 	snop  }
0x6b: {  	[tilespmem:s20], [sflag:$0x1] =	stream.indirect_vreg.gather [hbm4b:s12+s2], $0x80, v4, vm1, $0xb8;
	[tilespmem:$0x11200] =	vst v63  }
0x6c: {  	_ = 	snop  }
0x6d: {  	[tilespmem:s21], [sflag:$0x1] =	stream.indirect_vreg.gather [hbm4b:s3+s2], $0x80, v3, vm0, $0xb8;
	[tilespmem:$0x11200] =	vst v63  }
0x6e: {  	_ = 	snop  }
0x6f: {  	[tilespmem:s22], [sflag:$0x1] =	stream.indirect_vreg.gather [hbm4b:s5+s2], $0x80, v3, vm0, $0xb8;
	[tilespmem:$0x11200] =	vst v63  }
0x70: {  	_ = 	snop  }
0x71: {  	[tilespmem:s23], [sflag:$0x1] =	stream.indirect_vreg.gather [hbm4b:s6+s2], $0x80, v3, vm0, $0xb8;
	[tilespmem:$0x11200] =	vst v63  }
0x72: {  	_ = 	snop  }
0x73: {  	[tilespmem:s24], [sflag:$0x1] =	stream.indirect_vreg.gather [hbm4b:s7+s2], $0x80, v3, vm0, $0xb8;
	[tilespmem:$0x11200] =	vst v63  }
0x74: {  	_ = 	snop  }
0x75: {  	[tilespmem:s25], [sflag:$0x1] =	stream.indirect_vreg.gather [hbm4b:s8+s2], $0x80, v3, vm0, $0xb8;
	[tilespmem:$0x11200] =	vst v63  }
0x76: {  	_ = 	snop  }
0x77: {  	[tilespmem:s26], [sflag:$0x1] =	stream.indirect_vreg.gather [hbm4b:s9+s2], $0x80, v3, vm0, $0xb8;
	[tilespmem:$0x11200] =	vst v63  }
0x78: {  	_ = 	snop  }
0x79: {  	[tilespmem:s28], [sflag:$0x1] =	stream.indirect_vreg.gather [hbm4b:s10+s2], $0x80, v3, vm0, $0xb8;
	[tilespmem:$0x11200] =	vst v63  }
0x7a: {  	_ = 	snop  }
0x7b: {  	[tilespmem:s29], [sflag:$0x1] =	stream.indirect_vreg.gather [hbm4b:s11+s2], $0x80, v3, vm0, $0xb8;
	[tilespmem:$0x11200] =	vst v63  }
0x7c: {  	_ = 	snop  }
0x7d: {  	[tilespmem:s30], [sflag:$0x1] =	stream.indirect_vreg.gather [hbm4b:s12+s2], $0x80, v3, vm1, $0xb8;
	[tilespmem:$0x11200] =	vst v63  }
0x7e: {  	_ =	swait.ge [sflag:s31], $0x11000  }
0x7f: {  	p0 =	sne.s32 s4, $0x780;
	[sflag:s31] =	ssyncset.done $0x0  }
.Ltmp0:
0x80: {  	[sflag:s31] =	ssyncadd.s32 $0xFFFEF000;
	(pc) =	sbr.rel @p0 .LBB2_2-.Ltmp0, $4  }
0x81: {  	[hbm4b:s14+s2] =	stream.linear.scatter [tilespmem:s16], [sflag:$0x2], $0x11000, $0x38;
	[tilespmem:$0x11200] =	vst v63  }
0x82: {  	_ =	swait.ge [sflag:s15], $0x11000  }
0x83: {  	[sflag:s15] =	ssyncset.done $0x0  }
0x84: {  	s4 =	sadd.s32 $0x80, s4;
	s14 =	sadd.s32 $0x2200, s14;
	[sflag:s15] =	ssyncadd.s32 $0xFFFEF000  }
0x85: {  	s1 =	rddreg [dreg:$0x1c]  }
0x86: {  	s0 =	rddreg [dreg:$0x1a];
	s1 =	sadd.s32 $0x1, s1  }
0x87: {  	p0 =	sne.s32 s1, s0  }
.Ltmp1:
0x88: {  	_ = 	snop;
	(pc) =	sbr.rel @p0 .LBB2_1-.Ltmp1, $1  }
0x89: {  	_ =	sdelay $0x3  }
0x8a: {  	_ =	sfence.sel $0x180000  }
0x8b: {  	[bflag:$0x0] =	sbarrier.arrive $0xFFFF  }
0x8c: {  	_ =	strace $0x90000047  }
0x8d: {  	s0 =	stileid.u32;
	[bflag:$0x2] =	sbarrier.arrive $0xFFFF  }
0x8e: {  	p0 =	sne.s32 s0, $0x0;
	s0 =	rddreg [dreg:$0x2]  }
0x8f: {  	s0 =	sadd.s32 @!p0 $0x100000, s0  }
0x90: {  	[sflag:s0] =	ssyncadd.tile.s32 @!p0 $0x1;
	_ =	shalt  }
.Lfunc_end2:
_tile_overlayer_lowered:
.L_overlay_start_2:
0x91: {  	(tag) =	ssettag $0x2  }
0x92: {  	s0 =	rddreg [dreg:$0x0];
	s2 =	stileid.u32  }
0x93: {  	s1 =	rddreg [dreg:$0x1];
	p0 =	sne.s32 s2, $0x0  }
0x94: {  	s3 =	rddreg [dreg:$0x2];
	[bflag:$0x3] =	sbarrier.arrive $0xFFFF;
	s2 =	simm.s32 @!p0 $0x1C02  }
0x95: {  	[timem:s3], [sflag:s2] =	dma.local @!p0 [hbm:s0], s1  }
0x96: {  	s0 =	simm.s32 @!p0 $0x2  }
0x97: {  	_ =	swait.ge @!p0 [sflag:s0], s1  }
0x98: {  	s1 =	ssub.s32 @!p0 $0x0, s1;
	[sflag:s0] =	ssyncset.done @!p0 $0x0  }
0x99: {  	[sflag:s0] =	ssyncadd.s32 @!p0 s1  }
0x9a: {  	[bflag:$0x3] =	sbarrier.arrive $0xFFFF  }
0x9b: {  	_ =	shalt  }

// kernel: kernel.9.cloned.1.call-start
scs
__scs_entry_jumppad:
0x0: {  	(pc) =	sbr.rel $0x88, $3  }
0x1: {  	(tag) =	ssettag $0x0;
	lr =	simm.s32 $0x1  }
0x2: {  	[smem:$0x3F9B] =	sst lr;
	_ =	strace $0xD0000000  }
0x3: {  	_ = 	snop  }
0x4: {  	_ = 	snop  }
0x5: {  	_ = 	snop  }
0x6: {  	_ = 	snop  }
0x7: {  	_ = 	snop  }
__scs_overlays_trampoline_lowered:
0x8: {  	[smem:$0x3FAA] =	sst s0  }
0x9: {  	[smem:$0x3FAB] =	sst s1  }
0xa: {  	[smem:$0x3FAC] =	sst s2  }
0xb: {  	[smem:$0x3FAD] =	sst s3  }
0xc: {  	[smem:$0x3FAE] =	sst s4  }
0xd: {  	[smem:$0x3FAF] =	sst s5  }
0xe: {  	[smem:$0x3FB0] =	sst s6  }
0xf: {  	[smem:$0x3FB1] =	sst s7  }
0x10: {  	[smem:$0x3FB2] =	sst s8  }
0x11: {  	[smem:$0x3FB3] =	sst s9;
	s0 =	simm.s32 @!p0 $0x0  }
0x12: {  	s1 =	sld [smem:$0x3F99];
	s0 =	simm.s32 @p0 $0x1  }
0x13: {  	[smem:$0x3FB4] =	sst s0;
	s0 =	simm.s32 @!p1 $0x0  }
0x14: {  	s2 =	sld [smem:$0x3F98];
	s0 =	simm.s32 @p1 $0x1  }
0x15: {  	[smem:$0x3FB5] =	sst s0;
	s0 =	simm.s32 @!p2 $0x0  }
0x16: {  	s3 =	sld [smem:$0x3FDB];
	s0 =	simm.s32 @p2 $0x1  }
0x17: {  	s4 =	simm.s32 $0x1BF5;
	[smem:$0x3FB7] =	sst s0  }
0x18: {  	s0 =	sld [smem:$0x3F9A];
	_ =	swait.ge [sflag:s4], $0x0  }
0x19: {  	s7 =	sld [smem:$0x3F9B]  }
0x1a: {  	s8 =	sadd.s32 $0xFFFFE003, lr  }
0x1b: {  	s9 =	sadd.s32 $0xFFFFFEF7, lr;
	s5 =	simm.s32 $0xFFFFFFFF;
	p2 =	slt.u32 s8, $0xFFFFF086  }
0x1c: {  	p1 =	slt.u32 s9, $0xF7A;
	s5 =	simm.s32 @!p2 $0x0  }
0x1d: {  	s5 =	simm.s32 @p1 $0x1;
	p0 =	seq.s32 s7, s2  }
0x1e: {  	s7 =	smul.u32 @!p0 $0xF7A, s2;
	p2 =	seq.s32 @!p0 s5, $0x0  }
0x1f: {  	s9 =	smul.u32 $0xF7A, s1;
	s8 =	simm.s32 @!p0 $0x1BF5;
	p2 =	por !p2, p0  }
0x20: {  	[sflag:s8] =	ssyncset.s32 @!p0 $0xFFFFF086;
	s6 =	sadd.s32 @!p0 s3, s7;
	s7 =	simm.s32 @!p0 $0x108  }
0x21: {  	s3 =	sadd.s32 s3, s9;
	s6 =	sadd.s32 @!p0 $0x88, s6;
	s7 =	simm.s32 @p2 $0x1082  }
0x22: {  	[simem:s7], [sflag:s8] =	dma.local @!p0 [hbm:s6], $0xF7A  }
0x23: {  	s9 =	sor.u32 $0xD0000000, s2;
	s6 =	simm.s32 $0x108;
	_ =	swait.ge @!p0 [sflag:s8], $0x0  }
0x24: {  	s3 =	sadd.s32 $0x88, s3;
	s6 =	simm.s32 @!p1 $0x1082;
	[sflag:s4] =	ssyncset.s32 $0xFFFFF086  }
0x25: {  	[simem:s6], [sflag:s4] =	dma.local [hbm:s3], $0xF7A  }
0x26: {  	[smem:$0x3F9B] =	sst s1;
	(tag) =	ssettag s2;
	_ =	strace s9  }
0x27: {  	s1 =	sld [smem:$0x3FAB]  }
0x28: {  	s2 =	sld [smem:$0x3FAC]  }
0x29: {  	s4 =	sld [smem:$0x3FAE]  }
0x2a: {  	p0 =	seq.s32 s5, $0x0;
	s5 =	sld [smem:$0x3FAF]  }
0x2b: {  	s6 =	sld [smem:$0x3FB0]  }
0x2c: {  	s7 =	sld [smem:$0x3FB1]  }
0x2d: {  	s3 =	simm.s32 $0x108;
	s8 =	sld [smem:$0x3FB2]  }
0x2e: {  	s3 =	simm.s32 @!p0 $0x1082;
	s9 =	sld [smem:$0x3FB3]  }
0x2f: {  	lr =	sadd.s32 s0, s3;
	s0 =	sld [smem:$0x3FAA]  }
0x30: {  	s3 =	sld [smem:$0x3FAD]  }
0x31: {  	[smem:$0x3FB6] =	sst s10  }
0x32: {  	s10 =	sld [smem:$0x3FB4];
	_ =	sdelay $0x3  }
0x33: {  	p0 =	seq.s32 s10, $0x1;
	s10 =	sld [smem:$0x3FB6];
	_ =	sdelay $0x3  }
0x34: {  	[smem:$0x3FB6] =	sst s10  }
0x35: {  	s10 =	sld [smem:$0x3FB5];
	_ =	sdelay $0x3  }
0x36: {  	p1 =	seq.s32 s10, $0x1;
	s10 =	sld [smem:$0x3FB6];
	_ =	sdelay $0x3  }
0x37: {  	[smem:$0x3FB6] =	sst s10  }
0x38: {  	s10 =	sld [smem:$0x3FB7]  }
0x39: {  	_ = 	snop;
	(pc) =	sbr.ind lr, $3  }
0x3a: {  	_ = 	snop  }
0x3b: {  	_ = 	snop  }
0x3c: {  	p2 =	seq.s32 s10, $0x1;
	s10 =	sld [smem:$0x3FB6]  }
0x3d: {  	_ =	shalt  }
0x3e: {  	_ =	shalt  }
0x3f: {  	_ =	shalt  }
0x40: {  	_ =	shalt  }
0x41: {  	_ =	shalt  }
0x42: {  	_ =	shalt  }
0x43: {  	_ =	shalt  }
0x44: {  	_ =	shalt  }
0x45: {  	_ =	shalt  }
0x46: {  	_ =	shalt  }
0x47: {  	_ =	shalt  }
0x48: {  	_ =	shalt  }
0x49: {  	_ =	shalt  }
0x4a: {  	_ =	shalt  }
0x4b: {  	_ =	shalt  }
0x4c: {  	_ =	shalt  }
0x4d: {  	_ =	shalt  }
0x4e: {  	_ =	shalt  }
0x4f: {  	_ =	shalt  }
0x50: {  	_ =	shalt  }
0x51: {  	_ =	shalt  }
0x52: {  	_ =	shalt  }
0x53: {  	_ =	shalt  }
0x54: {  	_ =	shalt  }
0x55: {  	_ =	shalt  }
0x56: {  	_ =	shalt  }
0x57: {  	_ =	shalt  }
0x58: {  	_ =	shalt  }
0x59: {  	_ =	shalt  }
0x5a: {  	_ =	shalt  }
0x5b: {  	_ =	shalt  }
0x5c: {  	_ =	shalt  }
0x5d: {  	_ =	shalt  }
0x5e: {  	_ =	shalt  }
0x5f: {  	_ =	shalt  }
0x60: {  	_ =	shalt  }
0x61: {  	_ =	shalt  }
0x62: {  	_ =	shalt  }
0x63: {  	_ =	shalt  }
0x64: {  	_ =	shalt  }
0x65: {  	_ =	shalt  }
0x66: {  	_ =	shalt  }
0x67: {  	_ =	shalt  }
0x68: {  	_ =	shalt  }
0x69: {  	_ =	shalt  }
0x6a: {  	_ =	shalt  }
0x6b: {  	_ =	shalt  }
0x6c: {  	_ =	shalt  }
0x6d: {  	_ =	shalt  }
0x6e: {  	_ =	shalt  }
0x6f: {  	_ =	shalt  }
0x70: {  	_ =	shalt  }
0x71: {  	_ =	shalt  }
0x72: {  	_ =	shalt  }
0x73: {  	_ =	shalt  }
0x74: {  	_ =	shalt  }
0x75: {  	_ =	shalt  }
0x76: {  	_ =	shalt  }
0x77: {  	_ =	shalt  }
0x78: {  	_ =	shalt  }
0x79: {  	_ =	shalt  }
0x7a: {  	_ =	shalt  }
0x7b: {  	_ =	shalt  }
0x7c: {  	_ =	shalt  }
0x7d: {  	_ =	shalt  }
0x7e: {  	_ =	shalt  }
0x7f: {  	_ =	shalt  }
0x80: {  	_ =	shalt  }
0x81: {  	_ =	shalt  }
0x82: {  	_ =	shalt  }
0x83: {  	_ =	shalt  }
0x84: {  	_ =	shalt  }
0x85: {  	_ =	shalt  }
0x86: {  	_ =	shalt  }
0x87: {  	_ =	shalt  }
.Lfunc_end0:
.L_simem_size_0:
called_computation.1_lowered:
.L_overlay_start_0:
0x88: {  	s2 =	sld [smem:$0x3FD9]  }
0x89: {  	s3 =	sld [smem:$0x3FFE];
	_ =	sdelay $0x1  }
0x8a: {  	s1 =	srdreg.scid  }
0x8b: {  	s0 =	sand.u32 $0x1, s1  }
0x8c: {  	s17 =	sshll.u32 s0, $0xA;
	s2 =	sadd.s32 s3, s2  }
0x8d: {  	s2 =	sadd.s32 s2, s17  }
0x8e: {  	[smem:$0x3FC2] =	sst s2  }
0x8f: {  	_ = 	snop  }
0x90: {  	s2 =	sld [smem:$0x3FD0];
	(tm) =	ssettm $0x1  }
0x91: {  	s18 =	sld [smem:$0x3FFB];
	_ =	sdelay $0x3  }
0x92: {  	_ =	strace s18  }
0x93: {  	s3 =	sld [smem:$0x3FFC];
	_ =	sdelay $0x3  }
0x94: {  	_ =	strace s3  }
0x95: {  	s3 =	sld [smem:$0x3FFD];
	_ =	sdelay $0x3  }
0x96: {  	_ =	strace s3  }
0x97: {  	_ =	strace $0x8FFFFFFF  }
0x98: {  	s19 =	sld [smem:$0x3FDB];
	_ =	sdelay $0x1  }
0x99: {  	s4 =	simm.s32 $_scs_section_size  }
0x9a: {  	s5 =	simm.s32 $_size__tile_overlayer_lowered;
	s6 =	simm.s32 $_tile_overlayer_lowered  }
0x9b: {  	s22 =	simm.s32 $0x1BFF;
	s21 =	sshll.u32 s6, $0x1;
	s3 =	sadd.s32 s4, s19  }
0x9c: {  	s7 =	simm.s32 $0x0;
	s20 =	sshll.u32 s5, $0x1;
	s5 =	sadd.s32 s21, s3  }
0x9d: {  	[timem:s7], [sflag:s22] =	dma.local [hbm:s5], s20  }
0x9e: {  	_ =	swait.ge [sflag:s22], s20  }
0x9f: {  	s4 =	ssub.s32 $0x0, s20;
	[sflag:s22] =	ssyncset.done $0x0  }
0xa0: {  	[sflag:s22] =	ssyncadd.s32 s4;
	_ =	sdelay $0x1  }
0xa1: {  	s23 =	simm.s32 $0x1B8B  }
0xa2: {  	_ =	swait.ge [sflag:s23], $0x1  }
0xa3: {  	[sflag:s23] =	ssyncset.done $0x0  }
0xa4: {  	s25 =	simm.s32 $0x1B8E;
	s24 =	sld [smem:$0x3FFE];
	[sflag:s23] =	ssyncadd.s32 $0xFFFFFFFF  }
0xa5: {  	s26 =	simm.s32 $execute0_lowered;
	[smem:$0x3FD2] =	sst s25  }
0xa6: {  	s5 =	sshll.u32 s26, $0x1;
	_ =	strace $0x80000049;
	[dreg:$0x1] =	wrdreg $0xFFFFFFFF  }
0xa7: {  	s28 =	simm.s32 $_size_execute0_lowered;
	s3 =	sadd.s32 s3, s5;
	[dreg:$0x0] =	wrdreg $0x0  }
0xa8: {  	s5 =	sshll.u32 s28, $0x1;
	[dreg:$0x2] =	wrdreg s3  }
0xa9: {  	[dreg:$0x3] =	wrdreg s5  }
0xaa: {  	[dreg:$0x4] =	wrdreg $0xC0  }
0xab: {  	_ =	task [dreg:s7], $0x5FFFF  }
0xac: {  	[dreg:$0x1] =	wrdreg $0xFFFFFFFF  }
0xad: {  	[dreg:$0x0] =	wrdreg $0x60  }
0xae: {  	[dreg:$0x2] =	wrdreg s24  }
0xaf: {  	[dreg:$0x3] =	wrdreg s2  }
0xb0: {  	[dreg:$0x4] =	wrdreg $0x9  }
0xb1: {  	_ =	task.clear_ibuf [dreg:s7], $0x5FFFF;
	_ =	strace $0x90000049  }
0xb2: {  	s29 =	simm.s32 $0x9;
	_ =	strace $0x8000004B  }
0xb3: {  	_ =	swait.ge [sflag:s29], $0x1  }
0xb4: {  	[sflag:s29] =	ssyncadd.s32 $0xFFFFFFFF  }
0xb5: {  	_ =	strace $0x9000004B  }
0xb6: {  	_ =	sfence  }
0xb7: {  	s30 =	sld [smem:$0x0];
	_ =	sdelay $0x2  }
0xb8: {  	s31 =	sshll.u32 s1, $0xD;
	s1 =	sshrl.u32 s1, $0x2  }
0xb9: {  	s3 =	sand.u32 $0x4000, s31;
	s1 =	sadd.s32 s1, s30  }
0xba: {  	s0 =	sor.u32 s3, s0;
	s1 =	sshll.u32 s1, $0x11  }
0xbb: {  	s0 =	sor.u32 s1, s0  }
0xbc: {  	s0 =	sadd.s32 $0x8F2B, s0  }
0xbd: {  	[sflag:s0] =	ssyncadd.remote.s32 $0x1  }
0xbe: {  	_ =	sfence.sel $0xFFFF  }
0xbf: {  	[dreg:$0x0] =	wrdreg $0xFFFFFFFF;
	(pc) =	sbr.abs _section_cstart, $3  }
0xc0: {  	[dreg:$0x1] =	wrdreg $0xFFFFFFFF  }
0xc1: {  	_ =	task.clear_ibuf [dreg:s7], $0x2FFFF;
	_ =	strace $0x9FFFFFFF  }
0xc2: {  	(tm) =	ssettm $0x7FFFFFFF  }
0xc3: {  	_ =	shalt  }
tec
execute0_lowered:
.L_overlay_start_1:
0x0: {  	(tag) =	ssettag $0x1  }
0x1: {  	s1 =	srdreg.scid  }
0x2: {  	s0 =	stileid.u32;
	s23 =	sand.u32 $0x1, s1  }
0x3: {  	s13 =	rddreg [dreg:$0x0];
	s30 =	sshll.u32 s0, $0xA;
	s2 =	sshll.u32 s23, $0x9  }
0x4: {  	s5 =	rddreg [dreg:$0x1];
	s11 =	sor.u32 s2, s30  }
0x5: {  	s1 =	rddreg [dreg:$0x2];
	s2 =	simm.s32 $0x0;
	s6 =	sshrl.u32 s11, $0x3  }
0x6: {  	[smem:$0x7FF] =	sst s2;
	s3 =	sadd.s32 s6, s13  }
0x7: {  	_ =	strace $0x8000004A;
	s4 =	sadd.s32 $0xC26400, s3;
	s3 =	simm.s32 $0x2  }
0x8: {  	[tilespmem:s2], [sflag:$0x2] =	stream.linear.gather [hbm4b:s4+s2], $0x200, $0x38;
	[tilespmem:$0x8400] =	vst v63  }
0x9: {  	_ =	swait.ge [sflag:s3], $0x200  }
0xa: {  	[sflag:s3] =	ssyncset.done $0x0  }
0xb: {  	s5 =	sadd.s32 s5, s6;
	s6 =	simm.s32 $0x200;
	[sflag:s3] =	ssyncadd.s32 $0xFFFFFE00  }
0xc: {  	[tilespmem:s6], [sflag:$0x2] =	stream.linear.gather [hbm4b:s5+s2], $0x200, $0x38;
	[tilespmem:$0x8400] =	vst v63  }
0xd: {  	_ =	swait.ge [sflag:s3], $0x200  }
0xe: {  	s8 =	simm.s32 $0x80;
	s9 =	simm.s32 $0x400;
	[sflag:s3] =	ssyncset.done $0x0  }
0xf: {  	s10 =	simm.s32 $0x1;
	s7 =	sadd.s32 $0x484400, s13;
	[sflag:s3] =	ssyncadd.s32 $0xFFFFFE00  }
0x10: {  	[tilespmem:s9], [sflag:$0x1] =	stream.indirect.gather [hbm4b:s7+s8], $0x80, s2, s8, $0xb8;
	[tilespmem:$0x8400] =	vst v63  }
0x11: {  	_ =	swait.ge [sflag:s10], $0x4000  }
0x12: {  	s22 =	sadd.s32 $0x1C00, s13;
	s25 =	sshll.u32 s11, $0x4;
	[sflag:s10] =	ssyncset.done $0x0  }
0x13: {  	s11 =	sadd.s32 s22, s25;
	[sflag:s10] =	ssyncadd.s32 $0xFFFFC000  }
0x14: {  	[hbm4b:s11+s2] =	stream.linear.scatter [tilespmem:s9], [sflag:$0x2], $0x4000, $0x38;
	[tilespmem:$0x8400] =	vst v63  }
0x15: {  	_ =	swait.ge [sflag:s3], $0x4000  }
0x16: {  	[sflag:s3] =	ssyncset.done $0x0  }
0x17: {  	s12 =	simm.s32 $0x4400;
	[sflag:s3] =	ssyncadd.s32 $0xFFFFC000  }
0x18: {  	[tilespmem:s12], [sflag:$0x1] =	stream.indirect.gather [hbm4b:s7+s8], $0x80, s6, s8, $0xb8;
	[tilespmem:$0x8400] =	vst v63  }
0x19: {  	_ =	swait.ge [sflag:s10], $0x4000  }
0x1a: {  	s24 =	sadd.s32 $0xC26C00, s13;
	[sflag:s10] =	ssyncset.done $0x0  }
0x1b: {  	s13 =	sadd.s32 s24, s25;
	[sflag:s10] =	ssyncadd.s32 $0xFFFFC000  }
0x1c: {  	[hbm4b:s13+s2] =	stream.linear.scatter [tilespmem:s12], [sflag:$0x2], $0x4000, $0x38;
	[tilespmem:$0x8400] =	vst v63  }
0x1d: {  	_ =	swait.ge [sflag:s3], $0x4000  }
0x1e: {  	[sflag:s3] =	ssyncset.done $0x0  }
0x1f: {  	[sflag:s3] =	ssyncadd.s32 $0xFFFFC000  }
0x20: {  	[tilespmem:s9], [sflag:$0x1] =	stream.indirect.gather [hbm4b:s7+s8], $0x80, s8, s8, $0xb8;
	[tilespmem:$0x8400] =	vst v63  }
0x21: {  	_ =	swait.ge [sflag:s10], $0x4000  }
0x22: {  	s16 =	sor.u32 $0x800, s25;
	[sflag:s10] =	ssyncset.done $0x0  }
0x23: {  	s14 =	sadd.s32 s22, s16;
	[sflag:s10] =	ssyncadd.s32 $0xFFFFC000  }
0x24: {  	[hbm4b:s14+s2] =	stream.linear.scatter [tilespmem:s9], [sflag:$0x2], $0x4000, $0x38;
	[tilespmem:$0x8400] =	vst v63  }
0x25: {  	_ =	swait.ge [sflag:s3], $0x4000  }
0x26: {  	[sflag:s3] =	ssyncset.done $0x0  }
0x27: {  	s15 =	simm.s32 $0x280;
	[sflag:s3] =	ssyncadd.s32 $0xFFFFC000  }
0x28: {  	[tilespmem:s12], [sflag:$0x1] =	stream.indirect.gather [hbm4b:s7+s8], $0x80, s15, s8, $0xb8;
	[tilespmem:$0x8400] =	vst v63  }
0x29: {  	_ =	swait.ge [sflag:s10], $0x4000  }
0x2a: {  	[sflag:s10] =	ssyncset.done $0x0  }
0x2b: {  	s16 =	sadd.s32 s24, s16;
	[sflag:s10] =	ssyncadd.s32 $0xFFFFC000  }
0x2c: {  	[hbm4b:s16+s2] =	stream.linear.scatter [tilespmem:s12], [sflag:$0x2], $0x4000, $0x38;
	[tilespmem:$0x8400] =	vst v63  }
0x2d: {  	_ =	swait.ge [sflag:s3], $0x4000  }
0x2e: {  	[sflag:s3] =	ssyncset.done $0x0  }
0x2f: {  	s17 =	simm.s32 $0x100;
	[sflag:s3] =	ssyncadd.s32 $0xFFFFC000  }
0x30: {  	[tilespmem:s9], [sflag:$0x1] =	stream.indirect.gather [hbm4b:s7+s8], $0x80, s17, s8, $0xb8;
	[tilespmem:$0x8400] =	vst v63  }
0x31: {  	_ =	swait.ge [sflag:s10], $0x4000  }
0x32: {  	s20 =	sor.u32 $0x1000, s25;
	[sflag:s10] =	ssyncset.done $0x0  }
0x33: {  	s18 =	sadd.s32 s22, s20;
	[sflag:s10] =	ssyncadd.s32 $0xFFFFC000  }
0x34: {  	[hbm4b:s18+s2] =	stream.linear.scatter [tilespmem:s9], [sflag:$0x2], $0x4000, $0x38;
	[tilespmem:$0x8400] =	vst v63  }
0x35: {  	_ =	swait.ge [sflag:s3], $0x4000  }
0x36: {  	[sflag:s3] =	ssyncset.done $0x0  }
0x37: {  	s19 =	simm.s32 $0x300;
	[sflag:s3] =	ssyncadd.s32 $0xFFFFC000  }
0x38: {  	[tilespmem:s12], [sflag:$0x1] =	stream.indirect.gather [hbm4b:s7+s8], $0x80, s19, s8, $0xb8;
	[tilespmem:$0x8400] =	vst v63  }
0x39: {  	_ =	swait.ge [sflag:s10], $0x4000  }
0x3a: {  	[sflag:s10] =	ssyncset.done $0x0  }
0x3b: {  	s20 =	sadd.s32 s24, s20;
	[sflag:s10] =	ssyncadd.s32 $0xFFFFC000  }
0x3c: {  	[hbm4b:s20+s2] =	stream.linear.scatter [tilespmem:s12], [sflag:$0x2], $0x4000, $0x38;
	[tilespmem:$0x8400] =	vst v63  }
0x3d: {  	_ =	swait.ge [sflag:s3], $0x4000  }
0x3e: {  	[sflag:s3] =	ssyncset.done $0x0  }
0x3f: {  	s21 =	simm.s32 $0x180;
	[sflag:s3] =	ssyncadd.s32 $0xFFFFC000  }
0x40: {  	[tilespmem:s9], [sflag:$0x1] =	stream.indirect.gather [hbm4b:s7+s8], $0x80, s21, s8, $0xb8;
	[tilespmem:$0x8400] =	vst v63  }
0x41: {  	_ =	swait.ge [sflag:s10], $0x4000  }
0x42: {  	s25 =	sor.u32 $0x1800, s25;
	[sflag:s10] =	ssyncset.done $0x0  }
0x43: {  	s26 =	ssub.s32 $0x2, s23;
	s22 =	sadd.s32 s22, s25;
	[sflag:s10] =	ssyncadd.s32 $0xFFFFC000  }
0x44: {  	[hbm4b:s22+s2] =	stream.linear.scatter [tilespmem:s9], [sflag:$0x2], $0x4000, $0x38;
	[tilespmem:$0x8400] =	vst v63  }
0x45: {  	s28 =	sshrl.u32 s26, $0x1;
	_ =	swait.ge [sflag:s3], $0x4000  }
0x46: {  	s26 =	ssub.s32 s26, s28;
	[sflag:s3] =	ssyncset.done $0x0  }
0x47: {  	s23 =	simm.s32 $0x380;
	s31 =	smax.u32 s26, $0x1;
	[sflag:s3] =	ssyncadd.s32 $0xFFFFC000  }
0x48: {  	[tilespmem:s12], [sflag:$0x1] =	stream.indirect.gather [hbm4b:s7+s8], $0x80, s23, s8, $0xb8;
	[tilespmem:$0x8400] =	vst v63  }
0x49: {  	p0 =	sne.s32 s31, $0x1;
	_ =	swait.ge [sflag:s10], $0x4000  }
.Ltmp0:
0x4a: {  	[sflag:s10] =	ssyncset.done $0x0;
	(pc) =	sbr.rel @!p0 .LBB2_2-.Ltmp0, $4  }
0x4b: {  	s24 =	sadd.s32 s24, s25;
	[sflag:s10] =	ssyncadd.s32 $0xFFFFC000  }
0x4c: {  	[hbm4b:s24+s2] =	stream.linear.scatter [tilespmem:s12], [sflag:$0x2], $0x4000, $0x38;
	[tilespmem:$0x8400] =	vst v63  }
0x4d: {  	_ =	swait.ge [sflag:s3], $0x4000  }
0x4e: {  	s25 =	sadd.s32 $0xFFFFFFFF, s31;
	[sflag:s3] =	ssyncset.done $0x0  }
.LBB2_1:
0x4f: {  	p0 =	sne.s32 s25, $0x1;
	s25 =	sadd.s32 $0xFFFFFFFF, s25;
	[sflag:s3] =	ssyncadd.s32 $0xFFFFC000  }
0x50: {  	[tilespmem:s2], [sflag:$0x2] =	stream.linear.gather [hbm4b:s4+s2], $0x200, $0x38;
	[tilespmem:$0x8400] =	vst v63  }
0x51: {  	_ =	swait.ge [sflag:s3], $0x200  }
0x52: {  	[sflag:s3] =	ssyncset.done $0x0  }
0x53: {  	[sflag:s3] =	ssyncadd.s32 $0xFFFFFE00  }
0x54: {  	[tilespmem:s6], [sflag:$0x2] =	stream.linear.gather [hbm4b:s5+s2], $0x200, $0x38;
	[tilespmem:$0x8400] =	vst v63  }
0x55: {  	_ =	swait.ge [sflag:s3], $0x200  }
0x56: {  	[sflag:s3] =	ssyncset.done $0x0  }
0x57: {  	[sflag:s3] =	ssyncadd.s32 $0xFFFFFE00  }
0x58: {  	[tilespmem:s9], [sflag:$0x1] =	stream.indirect.gather [hbm4b:s7+s8], $0x80, s2, s8, $0xb8;
	[tilespmem:$0x8400] =	vst v63  }
0x59: {  	_ =	swait.ge [sflag:s10], $0x4000  }
0x5a: {  	[sflag:s10] =	ssyncset.done $0x0  }
0x5b: {  	[sflag:s10] =	ssyncadd.s32 $0xFFFFC000  }
0x5c: {  	[hbm4b:s11+s2] =	stream.linear.scatter [tilespmem:s9], [sflag:$0x2], $0x4000, $0x38;
	[tilespmem:$0x8400] =	vst v63  }
0x5d: {  	_ =	swait.ge [sflag:s3], $0x4000  }
0x5e: {  	[sflag:s3] =	ssyncset.done $0x0  }
0x5f: {  	[sflag:s3] =	ssyncadd.s32 $0xFFFFC000  }
0x60: {  	[tilespmem:s12], [sflag:$0x1] =	stream.indirect.gather [hbm4b:s7+s8], $0x80, s6, s8, $0xb8;
	[tilespmem:$0x8400] =	vst v63  }
0x61: {  	_ =	swait.ge [sflag:s10], $0x4000  }
0x62: {  	[sflag:s10] =	ssyncset.done $0x0  }
0x63: {  	[sflag:s10] =	ssyncadd.s32 $0xFFFFC000  }
0x64: {  	[hbm4b:s13+s2] =	stream.linear.scatter [tilespmem:s12], [sflag:$0x2], $0x4000, $0x38;
	[tilespmem:$0x8400] =	vst v63  }
0x65: {  	_ =	swait.ge [sflag:s3], $0x4000  }
0x66: {  	[sflag:s3] =	ssyncset.done $0x0  }
0x67: {  	[sflag:s3] =	ssyncadd.s32 $0xFFFFC000  }
0x68: {  	[tilespmem:s9], [sflag:$0x1] =	stream.indirect.gather [hbm4b:s7+s8], $0x80, s8, s8, $0xb8;
	[tilespmem:$0x8400] =	vst v63  }
0x69: {  	_ =	swait.ge [sflag:s10], $0x4000  }
0x6a: {  	[sflag:s10] =	ssyncset.done $0x0  }
0x6b: {  	[sflag:s10] =	ssyncadd.s32 $0xFFFFC000  }
0x6c: {  	[hbm4b:s14+s2] =	stream.linear.scatter [tilespmem:s9], [sflag:$0x2], $0x4000, $0x38;
	[tilespmem:$0x8400] =	vst v63  }
0x6d: {  	_ =	swait.ge [sflag:s3], $0x4000  }
0x6e: {  	[sflag:s3] =	ssyncset.done $0x0  }
0x6f: {  	[sflag:s3] =	ssyncadd.s32 $0xFFFFC000  }
0x70: {  	[tilespmem:s12], [sflag:$0x1] =	stream.indirect.gather [hbm4b:s7+s8], $0x80, s15, s8, $0xb8;
	[tilespmem:$0x8400] =	vst v63  }
0x71: {  	_ =	swait.ge [sflag:s10], $0x4000  }
0x72: {  	[sflag:s10] =	ssyncset.done $0x0  }
0x73: {  	[sflag:s10] =	ssyncadd.s32 $0xFFFFC000  }
0x74: {  	[hbm4b:s16+s2] =	stream.linear.scatter [tilespmem:s12], [sflag:$0x2], $0x4000, $0x38;
	[tilespmem:$0x8400] =	vst v63  }
0x75: {  	_ =	swait.ge [sflag:s3], $0x4000  }
0x76: {  	[sflag:s3] =	ssyncset.done $0x0  }
0x77: {  	[sflag:s3] =	ssyncadd.s32 $0xFFFFC000  }
0x78: {  	[tilespmem:s9], [sflag:$0x1] =	stream.indirect.gather [hbm4b:s7+s8], $0x80, s17, s8, $0xb8;
	[tilespmem:$0x8400] =	vst v63  }
0x79: {  	_ =	swait.ge [sflag:s10], $0x4000  }
0x7a: {  	[sflag:s10] =	ssyncset.done $0x0  }
0x7b: {  	[sflag:s10] =	ssyncadd.s32 $0xFFFFC000  }
0x7c: {  	[hbm4b:s18+s2] =	stream.linear.scatter [tilespmem:s9], [sflag:$0x2], $0x4000, $0x38;
	[tilespmem:$0x8400] =	vst v63  }
0x7d: {  	_ =	swait.ge [sflag:s3], $0x4000  }
0x7e: {  	[sflag:s3] =	ssyncset.done $0x0  }
0x7f: {  	[sflag:s3] =	ssyncadd.s32 $0xFFFFC000  }
0x80: {  	[tilespmem:s12], [sflag:$0x1] =	stream.indirect.gather [hbm4b:s7+s8], $0x80, s19, s8, $0xb8;
	[tilespmem:$0x8400] =	vst v63  }
0x81: {  	_ =	swait.ge [sflag:s10], $0x4000  }
0x82: {  	[sflag:s10] =	ssyncset.done $0x0  }
0x83: {  	[sflag:s10] =	ssyncadd.s32 $0xFFFFC000  }
0x84: {  	[hbm4b:s20+s2] =	stream.linear.scatter [tilespmem:s12], [sflag:$0x2], $0x4000, $0x38;
	[tilespmem:$0x8400] =	vst v63  }
0x85: {  	_ =	swait.ge [sflag:s3], $0x4000  }
0x86: {  	[sflag:s3] =	ssyncset.done $0x0  }
0x87: {  	[sflag:s3] =	ssyncadd.s32 $0xFFFFC000  }
0x88: {  	[tilespmem:s9], [sflag:$0x1] =	stream.indirect.gather [hbm4b:s7+s8], $0x80, s21, s8, $0xb8;
	[tilespmem:$0x8400] =	vst v63  }
0x89: {  	_ =	swait.ge [sflag:s10], $0x4000  }
0x8a: {  	[sflag:s10] =	ssyncset.done $0x0  }
0x8b: {  	[sflag:s10] =	ssyncadd.s32 $0xFFFFC000  }
0x8c: {  	[hbm4b:s22+s2] =	stream.linear.scatter [tilespmem:s9], [sflag:$0x2], $0x4000, $0x38;
	[tilespmem:$0x8400] =	vst v63  }
0x8d: {  	_ =	swait.ge [sflag:s3], $0x4000  }
0x8e: {  	[sflag:s3] =	ssyncset.done $0x0  }
0x8f: {  	[sflag:s3] =	ssyncadd.s32 $0xFFFFC000  }
0x90: {  	[tilespmem:s12], [sflag:$0x1] =	stream.indirect.gather [hbm4b:s7+s8], $0x80, s23, s8, $0xb8;
	[tilespmem:$0x8400] =	vst v63  }
0x91: {  	_ =	swait.ge [sflag:s10], $0x4000  }
.Ltmp1:
0x92: {  	[sflag:s10] =	ssyncset.done $0x0;
	(pc) =	sbr.rel @p0 .LBB2_1-.Ltmp1, $4  }
0x93: {  	[sflag:s10] =	ssyncadd.s32 $0xFFFFC000  }
0x94: {  	[hbm4b:s24+s2] =	stream.linear.scatter [tilespmem:s12], [sflag:$0x2], $0x4000, $0x38;
	[tilespmem:$0x8400] =	vst v63  }
0x95: {  	_ =	swait.ge [sflag:s3], $0x4000  }
0x96: {  	[sflag:s3] =	ssyncset.done $0x0  }
.LBB2_2:
0x97: {  	[sflag:s3] =	ssyncadd.s32 $0xFFFFC000  }
0x98: {  	_ =	sfence.sel $0x180000  }
0x99: {  	[bflag:$0x0] =	sbarrier.arrive $0xFFFF  }
0x9a: {  	p0 =	sne.s32 s0, $0x0;
	_ =	strace $0x9000004A  }
0x9b: {  	s0 =	sadd.s32 @!p0 $0x100000, s1;
	[bflag:$0x2] =	sbarrier.arrive $0xFFFF  }
0x9c: {  	[sflag:s0] =	ssyncadd.tile.s32 @!p0 $0x1;
	_ =	shalt  }
.Lfunc_end2:
_tile_overlayer_lowered:
.L_overlay_start_2:
0x9d: {  	(tag) =	ssettag $0x2  }
0x9e: {  	s0 =	rddreg [dreg:$0x0];
	s2 =	stileid.u32  }
0x9f: {  	s1 =	rddreg [dreg:$0x1];
	p0 =	sne.s32 s2, $0x0  }
0xa0: {  	s3 =	rddreg [dreg:$0x2];
	[bflag:$0x3] =	sbarrier.arrive $0xFFFF;
	s2 =	simm.s32 @!p0 $0x1C02  }
0xa1: {  	[timem:s3], [sflag:s2] =	dma.local @!p0 [hbm:s0], s1  }
0xa2: {  	s0 =	simm.s32 @!p0 $0x2  }
0xa3: {  	_ =	swait.ge @!p0 [sflag:s0], s1  }
0xa4: {  	s1 =	ssub.s32 @!p0 $0x0, s1;
	[sflag:s0] =	ssyncset.done @!p0 $0x0  }
0xa5: {  	[sflag:s0] =	ssyncadd.s32 @!p0 s1  }
0xa6: {  	[bflag:$0x3] =	sbarrier.arrive $0xFFFF  }
0xa7: {  	_ =	shalt  }

</sc_bundles>
